<compile_context>
chip_gen: v7x
topology: tpu7x:2x2x1
jax: 0.10.2.dev20260603
libtpu: 0.0.44.dev20260713+nightly
codegen_flags: <defaults>
</compile_context>

<pallas_src>
import functools

import jax
import jax.numpy as jnp
from jax import lax
from jax.experimental import pallas as pl
from jax.experimental.pallas import tpu as pltpu
from jax.experimental.pallas import tpu_sc as plsc

B, T = 4096, 200
D = 64
CHUNK = 128
NBUF = 4

_cache = {}


def _build():
    if "k" in _cache:
        return _cache["k"]
    info = plsc.get_sparse_core_info()
    NC, NS = info.num_cores, info.num_subcores
    NW = NC * NS
    TT, BT = T // 8, B // CHUNK
    blocks_per_w = (TT * BT) // NW
    chunks_per_w = blocks_per_w * 8
    n_groups = chunks_per_w // NBUF
    assert n_groups % 2 == 0 and n_groups >= 4
    mesh = plsc.VectorSubcoreMesh(core_axis_name="c", subcore_axis_name="s")

    @functools.partial(
        pl.kernel,
        mesh=mesh,
        compiler_params=pltpu.CompilerParams(use_tc_tiling_on_sc=False),
        out_type=jax.ShapeDtypeStruct((B, T, 2 * D), jnp.float32),
        scratch_types=[
            pltpu.VMEM((blocks_per_w, 8, CHUNK), jnp.int32),
            pltpu.VMEM((2, NBUF, CHUNK, D), jnp.float32),
            pltpu.SemaphoreType.DMA,
            pltpu.SemaphoreType.DMA,
            pltpu.SemaphoreType.DMA,
            pltpu.SemaphoreType.DMA,
        ],
    )
    def emb(idx_hbm, table_hbm, out_hbm, idx_v, rows_v, g0sem, g1sem, s0sem, s1sem):
        wid = lax.axis_index("s") * NC + lax.axis_index("c")
        fb0 = wid * blocks_per_w
        gsems = [g0sem, g1sem]
        ssems = [s0sem, s1sem]
        pltpu.sync_copy(idx_hbm.at[pl.ds(fb0, blocks_per_w)], idx_v)

        def start_gathers(gi, s):
            fbl = gi // 2
            ti0 = (gi % 2) * NBUF
            for j in range(NBUF):
                pltpu.async_copy(
                    table_hbm.at[idx_v.at[fbl, ti0 + j]],
                    rows_v.at[s, j],
                    gsems[s],
                )

        def wait_gathers(s):
            for j in range(NBUF):
                pltpu.make_async_copy(
                    table_hbm.at[idx_v.at[0, j]],
                    rows_v.at[s, j],
                    gsems[s],
                ).wait()

        def start_stores(gi, s):
            fb = fb0 + gi // 2
            tt = fb // BT
            bt = fb - tt * BT
            b0 = bt * CHUNK
            t0 = tt * 8 + (gi % 2) * NBUF
            for j in range(NBUF):
                pltpu.async_copy(
                    rows_v.at[s, j],
                    out_hbm.at[pl.ds(b0, CHUNK), t0 + j, pl.ds(0, D)],
                    ssems[s],
                )

        def wait_stores(s):
            for j in range(NBUF):
                pltpu.make_async_copy(
                    rows_v.at[s, j],
                    out_hbm.at[pl.ds(0, CHUNK), 0, pl.ds(0, D)],
                    ssems[s],
                ).wait()

        start_gathers(0, 0)
        start_gathers(1, 1)
        wait_gathers(0)
        start_stores(0, 0)

        def pair(p, carry):
            go = 2 * p + 1
            wait_stores(0)
            start_gathers(go + 1, 0)
            wait_gathers(1)
            start_stores(go, 1)
            ge = go + 1
            wait_stores(1)
            start_gathers(ge + 1, 1)
            wait_gathers(0)
            start_stores(ge, 0)
            return carry

        lax.fori_loop(0, (n_groups - 2) // 2, pair, 0)

        wait_gathers(1)
        start_stores(n_groups - 1, 1)
        wait_stores(0)
        wait_stores(1)

    _cache["k"] = emb
    return emb


def kernel(idx_texts, table):
    idx_k = (
        idx_texts.astype(jnp.int32)
        .reshape(B // CHUNK, CHUNK, T // 8, 8)
        .transpose(2, 0, 3, 1)
        .reshape((T // 8) * (B // CHUNK), 8, CHUNK)
    )
    out2 = _build()(idx_k, table)
    return out2.reshape(B * T, 2 * D)[:, :D].reshape(B, T, D)

# --- scband reference (transcript-rebuilt; emitter-appended) ---
"""Pipeline reference for scband-my-word-embedding-56169582297477 (READ-ONLY COPY).

The authoritative reference and input builder live on the scoring server;
editing this copy changes nothing except your own understanding.
"""

import jax, jax.numpy as jnp
import numpy as np

NUM_EMBEDDINGS = 1000000
EMBEDDING_DIM = 64


def setup_inputs(seed: int = 0) -> dict:
    key = jax.random.key(seed)
    k_idx, k_tab = jax.random.split(key)
    idx_texts = jax.random.randint(k_idx, (4096, 200), 0, NUM_EMBEDDINGS, dtype=jnp.int64 if jax.config.jax_enable_x64 else jnp.int32)
    table = jax.random.normal(k_tab, (NUM_EMBEDDINGS, EMBEDDING_DIM), dtype=jnp.float32)
    return {"idx_texts": idx_texts, "table": table}


def reference(idx_texts, table):
    # nn.Embedding forward: gather rows of the table by index
    return jnp.take(table, idx_texts, axis=0)

if __name__ == "__main__":
    import jax
    _d = setup_inputs()
    print(jax.jit(kernel)(*tuple(_d.values())))

</pallas_src>

<mosaic_0001>
#map = affine_map<(d0, d1) -> (0, 0, 0)>
#map1 = affine_map<(d0, d1) -> (0, 0)>
module attributes {stable_mosaic.version = 14 : i64} {
  func.func @emb(%arg0: i32, %arg1: i32, %arg2: memref<800x8x128xi32, #tpu.memory_space<hbm>>, %arg3: memref<1000000x64xf32, #tpu.memory_space<hbm>>, %arg4: memref<4096x200x128xf32, #tpu.memory_space<hbm>>, %arg5: memref<25x8x128xi32, #tpu.memory_space<vmem>>, %arg6: memref<2x4x128x64xf32, #tpu.memory_space<vmem>>, %arg7: memref<!tpu.dma_semaphore, #tpu.memory_space<semaphore_mem>>, %arg8: memref<!tpu.dma_semaphore, #tpu.memory_space<semaphore_mem>>, %arg9: memref<!tpu.dma_semaphore, #tpu.memory_space<semaphore_mem>>, %arg10: memref<!tpu.dma_semaphore, #tpu.memory_space<semaphore_mem>>) attributes {dimension_semantics = [#tpu.dimension_semantics<core_parallel>, #tpu.dimension_semantics<subcore_parallel>], iteration_bounds = array<i64: 2, 16>, scalar_prefetch = 0 : i64, scratch_operands = 6 : i64, tpu.core_type = #tpu.core_type<sc_vector_subcore>, window_params = [{transform_indices = #map}, {transform_indices = #map1}, {transform_indices = #map}]} {
    %mul3A = arith.constant 2 : i32
    %mul3A_0 = arith.muli %arg1, %mul3A : i32
    %add3A = arith.addi %mul3A_0, %arg0 : i32
    %mul3A_1 = arith.constant 25 : i32
    %mul3A_2 = arith.muli %add3A, %mul3A_1 : i32
    "tpu.region"() ({
      %run_scoped3A = tpu.sem_alloc : memref<!tpu.dma_semaphore, #tpu.memory_space<semaphore_mem>>
      %dma_start3A_588 = arith.constant 0 : i32
      %dma_start3A_589 = arith.constant 0 : i32
      %dma_start3A_590 = tpu.memref_slice %arg2[%mul3A_2, %dma_start3A_588, %dma_start3A_589] : memref<800x8x128xi32, #tpu.memory_space<hbm>> -> memref<25x8x128xi32, #tpu.memory_space<hbm>>
      %dma_start3A_591 = arith.constant 0 : i32
      %dma_start3A_592 = arith.constant 0 : i32
      %dma_start3A_593 = tpu.memref_slice %arg2[%mul3A_2, %dma_start3A_591, %dma_start3A_592] : memref<800x8x128xi32, #tpu.memory_space<hbm>> -> memref<25x8x128xi32, #tpu.memory_space<hbm>>
      tpu.enqueue_dma source(%dma_start3A_593 : memref<25x8x128xi32, #tpu.memory_space<hbm>>) target(%arg5 : memref<25x8x128xi32, #tpu.memory_space<vmem>>) target_semaphore(%run_scoped3A : memref<!tpu.dma_semaphore, #tpu.memory_space<semaphore_mem>>)
      %dma_wait3A_594 = arith.constant 0 : i32
      %dma_wait3A_595 = arith.constant 0 : i32
      %dma_wait3A_596 = tpu.memref_slice %arg2[%mul3A_2, %dma_wait3A_594, %dma_wait3A_595] : memref<800x8x128xi32, #tpu.memory_space<hbm>> -> memref<25x8x128xi32, #tpu.memory_space<hbm>>
      %dma_wait3A_597 = arith.constant 0 : i32
      %dma_wait3A_598 = arith.constant 0 : i32
      %dma_wait3A_599 = tpu.memref_slice %arg2[%mul3A_2, %dma_wait3A_597, %dma_wait3A_598] : memref<800x8x128xi32, #tpu.memory_space<hbm>> -> memref<25x8x128xi32, #tpu.memory_space<hbm>>
      tpu.wait_dma2 semaphore(%run_scoped3A : memref<!tpu.dma_semaphore, #tpu.memory_space<semaphore_mem>>) src(%dma_wait3A_599 : memref<25x8x128xi32, #tpu.memory_space<hbm>>) dst(%arg5 : memref<25x8x128xi32, #tpu.memory_space<vmem>>)
      tpu.yield
    }) : () -> ()
    %dma_start3A = arith.constant 0 : i32
    %dma_start3A_3 = arith.constant 0 : i32
    %dma_start3A_4 = arith.constant 0 : i32
    %dma_start3A_5 = arith.constant 0 : i32
    %dma_start3A_6 = arith.constant 0 : i32
    %dma_start3A_7 = arith.constant 0 : i32
    %dma_start3A_8 = tpu.memref_slice %arg6[%dma_start3A_4, %dma_start3A_5, %dma_start3A_6, %dma_start3A_7] : memref<2x4x128x64xf32, #tpu.memory_space<vmem>> -> memref<1x1x128x64xf32, #tpu.memory_space<vmem>>
    %dma_start3A_9 = tpu.memref_squeeze %dma_start3A_8 : memref<1x1x128x64xf32, #tpu.memory_space<vmem>> -> memref<128x64xf32, #tpu.memory_space<vmem>>
    %dma_start3A_10 = arith.constant 0 : i32
    %dma_start3A_11 = tpu.memref_slice %arg5[%dma_start3A, %dma_start3A_3, %dma_start3A_10] : memref<25x8x128xi32, #tpu.memory_space<vmem>> -> memref<1x1x128xi32, #tpu.memory_space<vmem>>
    %dma_start3A_12 = tpu.memref_squeeze %dma_start3A_11 : memref<1x1x128xi32, #tpu.memory_space<vmem>> -> memref<128xi32, #tpu.memory_space<vmem>>
    %dma_start3A_13 = arith.constant 0 : i32
    %dma_start3A_14 = arith.constant 0 : i32
    %dma_start3A_15 = tpu.memref_slice %arg3[%dma_start3A_13, %dma_start3A_14] : memref<1000000x64xf32, #tpu.memory_space<hbm>> -> memref<1000000x64xf32, #tpu.memory_space<hbm>>
    tpu.enqueue_indirect_dma source(%dma_start3A_15 : memref<1000000x64xf32, #tpu.memory_space<hbm>>) target(%dma_start3A_9 : memref<128x64xf32, #tpu.memory_space<vmem>>) offsets(%dma_start3A_12 : memref<128xi32, #tpu.memory_space<vmem>>) semaphore(%arg7 : memref<!tpu.dma_semaphore, #tpu.memory_space<semaphore_mem>>)
    %dma_start3A_16 = arith.constant 0 : i32
    %dma_start3A_17 = arith.constant 1 : i32
    %dma_start3A_18 = arith.constant 0 : i32
    %dma_start3A_19 = arith.constant 1 : i32
    %dma_start3A_20 = arith.constant 0 : i32
    %dma_start3A_21 = arith.constant 0 : i32
    %dma_start3A_22 = tpu.memref_slice %arg6[%dma_start3A_18, %dma_start3A_19, %dma_start3A_20, %dma_start3A_21] : memref<2x4x128x64xf32, #tpu.memory_space<vmem>> -> memref<1x1x128x64xf32, #tpu.memory_space<vmem>>
    %dma_start3A_23 = tpu.memref_squeeze %dma_start3A_22 : memref<1x1x128x64xf32, #tpu.memory_space<vmem>> -> memref<128x64xf32, #tpu.memory_space<vmem>>
    %dma_start3A_24 = arith.constant 0 : i32
    %dma_start3A_25 = tpu.memref_slice %arg5[%dma_start3A_16, %dma_start3A_17, %dma_start3A_24] : memref<25x8x128xi32, #tpu.memory_space<vmem>> -> memref<1x1x128xi32, #tpu.memory_space<vmem>>
    %dma_start3A_26 = tpu.memref_squeeze %dma_start3A_25 : memref<1x1x128xi32, #tpu.memory_space<vmem>> -> memref<128xi32, #tpu.memory_space<vmem>>
    %dma_start3A_27 = arith.constant 0 : i32
    %dma_start3A_28 = arith.constant 0 : i32
    %dma_start3A_29 = tpu.memref_slice %arg3[%dma_start3A_27, %dma_start3A_28] : memref<1000000x64xf32, #tpu.memory_space<hbm>> -> memref<1000000x64xf32, #tpu.memory_space<hbm>>
    tpu.enqueue_indirect_dma source(%dma_start3A_29 : memref<1000000x64xf32, #tpu.memory_space<hbm>>) target(%dma_start3A_23 : memref<128x64xf32, #tpu.memory_space<vmem>>) offsets(%dma_start3A_26 : memref<128xi32, #tpu.memory_space<vmem>>) semaphore(%arg7 : memref<!tpu.dma_semaphore, #tpu.memory_space<semaphore_mem>>)
    %dma_start3A_30 = arith.constant 0 : i32
    %dma_start3A_31 = arith.constant 2 : i32
    %dma_start3A_32 = arith.constant 0 : i32
    %dma_start3A_33 = arith.constant 2 : i32
    %dma_start3A_34 = arith.constant 0 : i32
    %dma_start3A_35 = arith.constant 0 : i32
    %dma_start3A_36 = tpu.memref_slice %arg6[%dma_start3A_32, %dma_start3A_33, %dma_start3A_34, %dma_start3A_35] : memref<2x4x128x64xf32, #tpu.memory_space<vmem>> -> memref<1x1x128x64xf32, #tpu.memory_space<vmem>>
    %dma_start3A_37 = tpu.memref_squeeze %dma_start3A_36 : memref<1x1x128x64xf32, #tpu.memory_space<vmem>> -> memref<128x64xf32, #tpu.memory_space<vmem>>
    %dma_start3A_38 = arith.constant 0 : i32
    %dma_start3A_39 = tpu.memref_slice %arg5[%dma_start3A_30, %dma_start3A_31, %dma_start3A_38] : memref<25x8x128xi32, #tpu.memory_space<vmem>> -> memref<1x1x128xi32, #tpu.memory_space<vmem>>
    %dma_start3A_40 = tpu.memref_squeeze %dma_start3A_39 : memref<1x1x128xi32, #tpu.memory_space<vmem>> -> memref<128xi32, #tpu.memory_space<vmem>>
    %dma_start3A_41 = arith.constant 0 : i32
    %dma_start3A_42 = arith.constant 0 : i32
    %dma_start3A_43 = tpu.memref_slice %arg3[%dma_start3A_41, %dma_start3A_42] : memref<1000000x64xf32, #tpu.memory_space<hbm>> -> memref<1000000x64xf32, #tpu.memory_space<hbm>>
    tpu.enqueue_indirect_dma source(%dma_start3A_43 : memref<1000000x64xf32, #tpu.memory_space<hbm>>) target(%dma_start3A_37 : memref<128x64xf32, #tpu.memory_space<vmem>>) offsets(%dma_start3A_40 : memref<128xi32, #tpu.memory_space<vmem>>) semaphore(%arg7 : memref<!tpu.dma_semaphore, #tpu.memory_space<semaphore_mem>>)
    %dma_start3A_44 = arith.constant 0 : i32
    %dma_start3A_45 = arith.constant 3 : i32
    %dma_start3A_46 = arith.constant 0 : i32
    %dma_start3A_47 = arith.constant 3 : i32
    %dma_start3A_48 = arith.constant 0 : i32
    %dma_start3A_49 = arith.constant 0 : i32
    %dma_start3A_50 = tpu.memref_slice %arg6[%dma_start3A_46, %dma_start3A_47, %dma_start3A_48, %dma_start3A_49] : memref<2x4x128x64xf32, #tpu.memory_space<vmem>> -> memref<1x1x128x64xf32, #tpu.memory_space<vmem>>
    %dma_start3A_51 = tpu.memref_squeeze %dma_start3A_50 : memref<1x1x128x64xf32, #tpu.memory_space<vmem>> -> memref<128x64xf32, #tpu.memory_space<vmem>>
    %dma_start3A_52 = arith.constant 0 : i32
    %dma_start3A_53 = tpu.memref_slice %arg5[%dma_start3A_44, %dma_start3A_45, %dma_start3A_52] : memref<25x8x128xi32, #tpu.memory_space<vmem>> -> memref<1x1x128xi32, #tpu.memory_space<vmem>>
    %dma_start3A_54 = tpu.memref_squeeze %dma_start3A_53 : memref<1x1x128xi32, #tpu.memory_space<vmem>> -> memref<128xi32, #tpu.memory_space<vmem>>
    %dma_start3A_55 = arith.constant 0 : i32
    %dma_start3A_56 = arith.constant 0 : i32
    %dma_start3A_57 = tpu.memref_slice %arg3[%dma_start3A_55, %dma_start3A_56] : memref<1000000x64xf32, #tpu.memory_space<hbm>> -> memref<1000000x64xf32, #tpu.memory_space<hbm>>
    tpu.enqueue_indirect_dma source(%dma_start3A_57 : memref<1000000x64xf32, #tpu.memory_space<hbm>>) target(%dma_start3A_51 : memref<128x64xf32, #tpu.memory_space<vmem>>) offsets(%dma_start3A_54 : memref<128xi32, #tpu.memory_space<vmem>>) semaphore(%arg7 : memref<!tpu.dma_semaphore, #tpu.memory_space<semaphore_mem>>)
    %dma_start3A_58 = arith.constant 0 : i32
    %dma_start3A_59 = arith.constant 4 : i32
    %dma_start3A_60 = arith.constant 1 : i32
    %dma_start3A_61 = arith.constant 0 : i32
    %dma_start3A_62 = arith.constant 0 : i32
    %dma_start3A_63 = arith.constant 0 : i32
    %dma_start3A_64 = tpu.memref_slice %arg6[%dma_start3A_60, %dma_start3A_61, %dma_start3A_62, %dma_start3A_63] : memref<2x4x128x64xf32, #tpu.memory_space<vmem>> -> memref<1x1x128x64xf32, #tpu.memory_space<vmem>>
    %dma_start3A_65 = tpu.memref_squeeze %dma_start3A_64 : memref<1x1x128x64xf32, #tpu.memory_space<vmem>> -> memref<128x64xf32, #tpu.memory_space<vmem>>
    %dma_start3A_66 = arith.constant 0 : i32
    %dma_start3A_67 = tpu.memref_slice %arg5[%dma_start3A_58, %dma_start3A_59, %dma_start3A_66] : memref<25x8x128xi32, #tpu.memory_space<vmem>> -> memref<1x1x128xi32, #tpu.memory_space<vmem>>
    %dma_start3A_68 = tpu.memref_squeeze %dma_start3A_67 : memref<1x1x128xi32, #tpu.memory_space<vmem>> -> memref<128xi32, #tpu.memory_space<vmem>>
    %dma_start3A_69 = arith.constant 0 : i32
    %dma_start3A_70 = arith.constant 0 : i32
    %dma_start3A_71 = tpu.memref_slice %arg3[%dma_start3A_69, %dma_start3A_70] : memref<1000000x64xf32, #tpu.memory_space<hbm>> -> memref<1000000x64xf32, #tpu.memory_space<hbm>>
    tpu.enqueue_indirect_dma source(%dma_start3A_71 : memref<1000000x64xf32, #tpu.memory_space<hbm>>) target(%dma_start3A_65 : memref<128x64xf32, #tpu.memory_space<vmem>>) offsets(%dma_start3A_68 : memref<128xi32, #tpu.memory_space<vmem>>) semaphore(%arg8 : memref<!tpu.dma_semaphore, #tpu.memory_space<semaphore_mem>>)
    %dma_start3A_72 = arith.constant 0 : i32
    %dma_start3A_73 = arith.constant 5 : i32
    %dma_start3A_74 = arith.constant 1 : i32
    %dma_start3A_75 = arith.constant 1 : i32
    %dma_start3A_76 = arith.constant 0 : i32
    %dma_start3A_77 = arith.constant 0 : i32
    %dma_start3A_78 = tpu.memref_slice %arg6[%dma_start3A_74, %dma_start3A_75, %dma_start3A_76, %dma_start3A_77] : memref<2x4x128x64xf32, #tpu.memory_space<vmem>> -> memref<1x1x128x64xf32, #tpu.memory_space<vmem>>
    %dma_start3A_79 = tpu.memref_squeeze %dma_start3A_78 : memref<1x1x128x64xf32, #tpu.memory_space<vmem>> -> memref<128x64xf32, #tpu.memory_space<vmem>>
    %dma_start3A_80 = arith.constant 0 : i32
    %dma_start3A_81 = tpu.memref_slice %arg5[%dma_start3A_72, %dma_start3A_73, %dma_start3A_80] : memref<25x8x128xi32, #tpu.memory_space<vmem>> -> memref<1x1x128xi32, #tpu.memory_space<vmem>>
    %dma_start3A_82 = tpu.memref_squeeze %dma_start3A_81 : memref<1x1x128xi32, #tpu.memory_space<vmem>> -> memref<128xi32, #tpu.memory_space<vmem>>
    %dma_start3A_83 = arith.constant 0 : i32
    %dma_start3A_84 = arith.constant 0 : i32
    %dma_start3A_85 = tpu.memref_slice %arg3[%dma_start3A_83, %dma_start3A_84] : memref<1000000x64xf32, #tpu.memory_space<hbm>> -> memref<1000000x64xf32, #tpu.memory_space<hbm>>
    tpu.enqueue_indirect_dma source(%dma_start3A_85 : memref<1000000x64xf32, #tpu.memory_space<hbm>>) target(%dma_start3A_79 : memref<128x64xf32, #tpu.memory_space<vmem>>) offsets(%dma_start3A_82 : memref<128xi32, #tpu.memory_space<vmem>>) semaphore(%arg8 : memref<!tpu.dma_semaphore, #tpu.memory_space<semaphore_mem>>)
    %dma_start3A_86 = arith.constant 0 : i32
    %dma_start3A_87 = arith.constant 6 : i32
    %dma_start3A_88 = arith.constant 1 : i32
    %dma_start3A_89 = arith.constant 2 : i32
    %dma_start3A_90 = arith.constant 0 : i32
    %dma_start3A_91 = arith.constant 0 : i32
    %dma_start3A_92 = tpu.memref_slice %arg6[%dma_start3A_88, %dma_start3A_89, %dma_start3A_90, %dma_start3A_91] : memref<2x4x128x64xf32, #tpu.memory_space<vmem>> -> memref<1x1x128x64xf32, #tpu.memory_space<vmem>>
    %dma_start3A_93 = tpu.memref_squeeze %dma_start3A_92 : memref<1x1x128x64xf32, #tpu.memory_space<vmem>> -> memref<128x64xf32, #tpu.memory_space<vmem>>
    %dma_start3A_94 = arith.constant 0 : i32
    %dma_start3A_95 = tpu.memref_slice %arg5[%dma_start3A_86, %dma_start3A_87, %dma_start3A_94] : memref<25x8x128xi32, #tpu.memory_space<vmem>> -> memref<1x1x128xi32, #tpu.memory_space<vmem>>
    %dma_start3A_96 = tpu.memref_squeeze %dma_start3A_95 : memref<1x1x128xi32, #tpu.memory_space<vmem>> -> memref<128xi32, #tpu.memory_space<vmem>>
    %dma_start3A_97 = arith.constant 0 : i32
    %dma_start3A_98 = arith.constant 0 : i32
    %dma_start3A_99 = tpu.memref_slice %arg3[%dma_start3A_97, %dma_start3A_98] : memref<1000000x64xf32, #tpu.memory_space<hbm>> -> memref<1000000x64xf32, #tpu.memory_space<hbm>>
    tpu.enqueue_indirect_dma source(%dma_start3A_99 : memref<1000000x64xf32, #tpu.memory_space<hbm>>) target(%dma_start3A_93 : memref<128x64xf32, #tpu.memory_space<vmem>>) offsets(%dma_start3A_96 : memref<128xi32, #tpu.memory_space<vmem>>) semaphore(%arg8 : memref<!tpu.dma_semaphore, #tpu.memory_space<semaphore_mem>>)
    %dma_start3A_100 = arith.constant 0 : i32
    %dma_start3A_101 = arith.constant 7 : i32
    %dma_start3A_102 = arith.constant 1 : i32
    %dma_start3A_103 = arith.constant 3 : i32
    %dma_start3A_104 = arith.constant 0 : i32
    %dma_start3A_105 = arith.constant 0 : i32
    %dma_start3A_106 = tpu.memref_slice %arg6[%dma_start3A_102, %dma_start3A_103, %dma_start3A_104, %dma_start3A_105] : memref<2x4x128x64xf32, #tpu.memory_space<vmem>> -> memref<1x1x128x64xf32, #tpu.memory_space<vmem>>
    %dma_start3A_107 = tpu.memref_squeeze %dma_start3A_106 : memref<1x1x128x64xf32, #tpu.memory_space<vmem>> -> memref<128x64xf32, #tpu.memory_space<vmem>>
    %dma_start3A_108 = arith.constant 0 : i32
    %dma_start3A_109 = tpu.memref_slice %arg5[%dma_start3A_100, %dma_start3A_101, %dma_start3A_108] : memref<25x8x128xi32, #tpu.memory_space<vmem>> -> memref<1x1x128xi32, #tpu.memory_space<vmem>>
    %dma_start3A_110 = tpu.memref_squeeze %dma_start3A_109 : memref<1x1x128xi32, #tpu.memory_space<vmem>> -> memref<128xi32, #tpu.memory_space<vmem>>
    %dma_start3A_111 = arith.constant 0 : i32
    %dma_start3A_112 = arith.constant 0 : i32
    %dma_start3A_113 = tpu.memref_slice %arg3[%dma_start3A_111, %dma_start3A_112] : memref<1000000x64xf32, #tpu.memory_space<hbm>> -> memref<1000000x64xf32, #tpu.memory_space<hbm>>
    tpu.enqueue_indirect_dma source(%dma_start3A_113 : memref<1000000x64xf32, #tpu.memory_space<hbm>>) target(%dma_start3A_107 : memref<128x64xf32, #tpu.memory_space<vmem>>) offsets(%dma_start3A_110 : memref<128xi32, #tpu.memory_space<vmem>>) semaphore(%arg8 : memref<!tpu.dma_semaphore, #tpu.memory_space<semaphore_mem>>)
    %dma_wait3A = arith.constant 0 : i32
    %dma_wait3A_114 = arith.constant 0 : i32
    %dma_wait3A_115 = arith.constant 0 : i32
    %dma_wait3A_116 = arith.constant 0 : i32
    %dma_wait3A_117 = arith.constant 0 : i32
    %dma_wait3A_118 = arith.constant 0 : i32
    %dma_wait3A_119 = tpu.memref_slice %arg6[%dma_wait3A_115, %dma_wait3A_116, %dma_wait3A_117, %dma_wait3A_118] : memref<2x4x128x64xf32, #tpu.memory_space<vmem>> -> memref<1x1x128x64xf32, #tpu.memory_space<vmem>>
    %dma_wait3A_120 = tpu.memref_squeeze %dma_wait3A_119 : memref<1x1x128x64xf32, #tpu.memory_space<vmem>> -> memref<128x64xf32, #tpu.memory_space<vmem>>
    %dma_wait3A_121 = arith.constant 0 : i32
    %dma_wait3A_122 = tpu.memref_slice %arg5[%dma_wait3A, %dma_wait3A_114, %dma_wait3A_121] : memref<25x8x128xi32, #tpu.memory_space<vmem>> -> memref<1x1x128xi32, #tpu.memory_space<vmem>>
    %dma_wait3A_123 = tpu.memref_squeeze %dma_wait3A_122 : memref<1x1x128xi32, #tpu.memory_space<vmem>> -> memref<128xi32, #tpu.memory_space<vmem>>
    %dma_wait3A_124 = arith.constant 0 : i32
    %dma_wait3A_125 = arith.constant 0 : i32
    %dma_wait3A_126 = tpu.memref_slice %arg3[%dma_wait3A_124, %dma_wait3A_125] : memref<1000000x64xf32, #tpu.memory_space<hbm>> -> memref<1000000x64xf32, #tpu.memory_space<hbm>>
    tpu.wait_indirect_dma semaphore(%arg7 : memref<!tpu.dma_semaphore, #tpu.memory_space<semaphore_mem>>) src(%dma_wait3A_126 : memref<1000000x64xf32, #tpu.memory_space<hbm>>) dst(%dma_wait3A_120 : memref<128x64xf32, #tpu.memory_space<vmem>>)
    %dma_wait3A_127 = arith.constant 0 : i32
    %dma_wait3A_128 = arith.constant 1 : i32
    %dma_wait3A_129 = arith.constant 0 : i32
    %dma_wait3A_130 = arith.constant 1 : i32
    %dma_wait3A_131 = arith.constant 0 : i32
    %dma_wait3A_132 = arith.constant 0 : i32
    %dma_wait3A_133 = tpu.memref_slice %arg6[%dma_wait3A_129, %dma_wait3A_130, %dma_wait3A_131, %dma_wait3A_132] : memref<2x4x128x64xf32, #tpu.memory_space<vmem>> -> memref<1x1x128x64xf32, #tpu.memory_space<vmem>>
    %dma_wait3A_134 = tpu.memref_squeeze %dma_wait3A_133 : memref<1x1x128x64xf32, #tpu.memory_space<vmem>> -> memref<128x64xf32, #tpu.memory_space<vmem>>
    %dma_wait3A_135 = arith.constant 0 : i32
    %dma_wait3A_136 = tpu.memref_slice %arg5[%dma_wait3A_127, %dma_wait3A_128, %dma_wait3A_135] : memref<25x8x128xi32, #tpu.memory_space<vmem>> -> memref<1x1x128xi32, #tpu.memory_space<vmem>>
    %dma_wait3A_137 = tpu.memref_squeeze %dma_wait3A_136 : memref<1x1x128xi32, #tpu.memory_space<vmem>> -> memref<128xi32, #tpu.memory_space<vmem>>
    %dma_wait3A_138 = arith.constant 0 : i32
    %dma_wait3A_139 = arith.constant 0 : i32
    %dma_wait3A_140 = tpu.memref_slice %arg3[%dma_wait3A_138, %dma_wait3A_139] : memref<1000000x64xf32, #tpu.memory_space<hbm>> -> memref<1000000x64xf32, #tpu.memory_space<hbm>>
    tpu.wait_indirect_dma semaphore(%arg7 : memref<!tpu.dma_semaphore, #tpu.memory_space<semaphore_mem>>) src(%dma_wait3A_140 : memref<1000000x64xf32, #tpu.memory_space<hbm>>) dst(%dma_wait3A_134 : memref<128x64xf32, #tpu.memory_space<vmem>>)
    %dma_wait3A_141 = arith.constant 0 : i32
    %dma_wait3A_142 = arith.constant 2 : i32
    %dma_wait3A_143 = arith.constant 0 : i32
    %dma_wait3A_144 = arith.constant 2 : i32
    %dma_wait3A_145 = arith.constant 0 : i32
    %dma_wait3A_146 = arith.constant 0 : i32
    %dma_wait3A_147 = tpu.memref_slice %arg6[%dma_wait3A_143, %dma_wait3A_144, %dma_wait3A_145, %dma_wait3A_146] : memref<2x4x128x64xf32, #tpu.memory_space<vmem>> -> memref<1x1x128x64xf32, #tpu.memory_space<vmem>>
    %dma_wait3A_148 = tpu.memref_squeeze %dma_wait3A_147 : memref<1x1x128x64xf32, #tpu.memory_space<vmem>> -> memref<128x64xf32, #tpu.memory_space<vmem>>
    %dma_wait3A_149 = arith.constant 0 : i32
    %dma_wait3A_150 = tpu.memref_slice %arg5[%dma_wait3A_141, %dma_wait3A_142, %dma_wait3A_149] : memref<25x8x128xi32, #tpu.memory_space<vmem>> -> memref<1x1x128xi32, #tpu.memory_space<vmem>>
    %dma_wait3A_151 = tpu.memref_squeeze %dma_wait3A_150 : memref<1x1x128xi32, #tpu.memory_space<vmem>> -> memref<128xi32, #tpu.memory_space<vmem>>
    %dma_wait3A_152 = arith.constant 0 : i32
    %dma_wait3A_153 = arith.constant 0 : i32
    %dma_wait3A_154 = tpu.memref_slice %arg3[%dma_wait3A_152, %dma_wait3A_153] : memref<1000000x64xf32, #tpu.memory_space<hbm>> -> memref<1000000x64xf32, #tpu.memory_space<hbm>>
    tpu.wait_indirect_dma semaphore(%arg7 : memref<!tpu.dma_semaphore, #tpu.memory_space<semaphore_mem>>) src(%dma_wait3A_154 : memref<1000000x64xf32, #tpu.memory_space<hbm>>) dst(%dma_wait3A_148 : memref<128x64xf32, #tpu.memory_space<vmem>>)
    %dma_wait3A_155 = arith.constant 0 : i32
    %dma_wait3A_156 = arith.constant 3 : i32
    %dma_wait3A_157 = arith.constant 0 : i32
    %dma_wait3A_158 = arith.constant 3 : i32
    %dma_wait3A_159 = arith.constant 0 : i32
    %dma_wait3A_160 = arith.constant 0 : i32
    %dma_wait3A_161 = tpu.memref_slice %arg6[%dma_wait3A_157, %dma_wait3A_158, %dma_wait3A_159, %dma_wait3A_160] : memref<2x4x128x64xf32, #tpu.memory_space<vmem>> -> memref<1x1x128x64xf32, #tpu.memory_space<vmem>>
    %dma_wait3A_162 = tpu.memref_squeeze %dma_wait3A_161 : memref<1x1x128x64xf32, #tpu.memory_space<vmem>> -> memref<128x64xf32, #tpu.memory_space<vmem>>
    %dma_wait3A_163 = arith.constant 0 : i32
    %dma_wait3A_164 = tpu.memref_slice %arg5[%dma_wait3A_155, %dma_wait3A_156, %dma_wait3A_163] : memref<25x8x128xi32, #tpu.memory_space<vmem>> -> memref<1x1x128xi32, #tpu.memory_space<vmem>>
    %dma_wait3A_165 = tpu.memref_squeeze %dma_wait3A_164 : memref<1x1x128xi32, #tpu.memory_space<vmem>> -> memref<128xi32, #tpu.memory_space<vmem>>
    %dma_wait3A_166 = arith.constant 0 : i32
    %dma_wait3A_167 = arith.constant 0 : i32
    %dma_wait3A_168 = tpu.memref_slice %arg3[%dma_wait3A_166, %dma_wait3A_167] : memref<1000000x64xf32, #tpu.memory_space<hbm>> -> memref<1000000x64xf32, #tpu.memory_space<hbm>>
    tpu.wait_indirect_dma semaphore(%arg7 : memref<!tpu.dma_semaphore, #tpu.memory_space<semaphore_mem>>) src(%dma_wait3A_168 : memref<1000000x64xf32, #tpu.memory_space<hbm>>) dst(%dma_wait3A_162 : memref<128x64xf32, #tpu.memory_space<vmem>>)
    %add3A_169 = arith.constant 0 : i32
    %add3A_170 = arith.addi %mul3A_2, %add3A_169 : i32
    %jit3A = arith.constant 32 : i32
    %div3A = arith.divsi %add3A_170, %jit3A : i32
    %sign3A = arith.constant 0 : i32
    %sign3A_171 = arith.cmpi sgt, %add3A_170, %sign3A : i32
    %sign3A_172 = arith.extui %sign3A_171 : i1 to i32
    %sign3A_173 = arith.constant 0 : i32
    %sign3A_174 = arith.cmpi slt, %add3A_170, %sign3A_173 : i32
    %sign3A_175 = arith.extui %sign3A_174 : i1 to i32
    %sign3A_176 = arith.subi %sign3A_172, %sign3A_175 : i32
    %sign3A_177 = arith.constant 0 : i32
    %sign3A_178 = arith.cmpi sgt, %jit3A, %sign3A_177 : i32
    %sign3A_179 = arith.extui %sign3A_178 : i1 to i32
    %sign3A_180 = arith.constant 0 : i32
    %sign3A_181 = arith.cmpi slt, %jit3A, %sign3A_180 : i32
    %sign3A_182 = arith.extui %sign3A_181 : i1 to i32
    %sign3A_183 = arith.subi %sign3A_179, %sign3A_182 : i32
    %ne3A = arith.cmpi ne, %sign3A_176, %sign3A_183 : i32
    %rem3A = arith.remsi %add3A_170, %jit3A : i32
    %ne3A_184 = arith.constant 0 : i32
    %ne3A_185 = arith.cmpi ne, %rem3A, %ne3A_184 : i32
    %and3A = arith.andi %ne3A, %ne3A_185 : i1
    %sub3A = arith.constant 1 : i32
    %sub3A_186 = arith.subi %div3A, %sub3A : i32
    %select_n3A = arith.select %and3A, %sub3A_186, %div3A : i32
    %mul3A_187 = arith.constant 32 : i32
    %mul3A_188 = arith.muli %select_n3A, %mul3A_187 : i32
    %sub3A_189 = arith.subi %add3A_170, %mul3A_188 : i32
    %mul3A_190 = arith.constant 128 : i32
    %mul3A_191 = arith.muli %sub3A_189, %mul3A_190 : i32
    %mul3A_192 = arith.constant 8 : i32
    %mul3A_193 = arith.muli %select_n3A, %mul3A_192 : i32
    %add3A_194 = arith.constant 0 : i32
    %add3A_195 = arith.addi %mul3A_193, %add3A_194 : i32
    %add3A_196 = arith.constant 0 : i32
    %add3A_197 = arith.addi %add3A_195, %add3A_196 : i32
    %dma_start3A_198 = arith.constant 0 : i32
    %dma_start3A_199 = arith.constant 0 : i32
    %dma_start3A_200 = arith.constant 0 : i32
    %dma_start3A_201 = arith.constant 0 : i32
    %dma_start3A_202 = tpu.memref_slice %arg6[%dma_start3A_198, %dma_start3A_199, %dma_start3A_200, %dma_start3A_201] : memref<2x4x128x64xf32, #tpu.memory_space<vmem>> -> memref<1x1x128x64xf32, #tpu.memory_space<vmem>>
    %dma_start3A_203 = tpu.memref_squeeze %dma_start3A_202 : memref<1x1x128x64xf32, #tpu.memory_space<vmem>> -> memref<128x64xf32, #tpu.memory_space<vmem>>
    %dma_start3A_204 = arith.constant 0 : i32
    %dma_start3A_205 = tpu.memref_slice %arg4[%mul3A_191, %add3A_197, %dma_start3A_204] : memref<4096x200x128xf32, #tpu.memory_space<hbm>> -> memref<128x1x64xf32, #tpu.memory_space<hbm>>
    %dma_start3A_206 = tpu.memref_squeeze %dma_start3A_205 : memref<128x1x64xf32, #tpu.memory_space<hbm>> -> memref<128x64xf32, #tpu.memory_space<hbm>>
    %dma_start3A_207 = arith.constant 0 : i32
    %dma_start3A_208 = tpu.memref_slice %arg4[%mul3A_191, %add3A_197, %dma_start3A_207] : memref<4096x200x128xf32, #tpu.memory_space<hbm>> -> memref<128x1x64xf32, #tpu.memory_space<hbm>>
    %dma_start3A_209 = tpu.memref_squeeze %dma_start3A_208 : memref<128x1x64xf32, #tpu.memory_space<hbm>> -> memref<128x64xf32, #tpu.memory_space<hbm>>
    %dma_start3A_210 = arith.constant 0 : i32
    %dma_start3A_211 = arith.constant 0 : i32
    %dma_start3A_212 = tpu.memref_slice %arg6[%dma_start3A_198, %dma_start3A_199, %dma_start3A_210, %dma_start3A_211] : memref<2x4x128x64xf32, #tpu.memory_space<vmem>> -> memref<1x1x128x64xf32, #tpu.memory_space<vmem>>
    %dma_start3A_213 = tpu.memref_squeeze %dma_start3A_212 : memref<1x1x128x64xf32, #tpu.memory_space<vmem>> -> memref<128x64xf32, #tpu.memory_space<vmem>>
    tpu.enqueue_dma source(%dma_start3A_213 : memref<128x64xf32, #tpu.memory_space<vmem>>) target(%dma_start3A_209 : memref<128x64xf32, #tpu.memory_space<hbm>>) target_semaphore(%arg9 : memref<!tpu.dma_semaphore, #tpu.memory_space<semaphore_mem>>)
    %add3A_214 = arith.constant 1 : i32
    %add3A_215 = arith.addi %add3A_195, %add3A_214 : i32
    %dma_start3A_216 = arith.constant 0 : i32
    %dma_start3A_217 = arith.constant 1 : i32
    %dma_start3A_218 = arith.constant 0 : i32
    %dma_start3A_219 = arith.constant 0 : i32
    %dma_start3A_220 = tpu.memref_slice %arg6[%dma_start3A_216, %dma_start3A_217, %dma_start3A_218, %dma_start3A_219] : memref<2x4x128x64xf32, #tpu.memory_space<vmem>> -> memref<1x1x128x64xf32, #tpu.memory_space<vmem>>
    %dma_start3A_221 = tpu.memref_squeeze %dma_start3A_220 : memref<1x1x128x64xf32, #tpu.memory_space<vmem>> -> memref<128x64xf32, #tpu.memory_space<vmem>>
    %dma_start3A_222 = arith.constant 0 : i32
    %dma_start3A_223 = tpu.memref_slice %arg4[%mul3A_191, %add3A_215, %dma_start3A_222] : memref<4096x200x128xf32, #tpu.memory_space<hbm>> -> memref<128x1x64xf32, #tpu.memory_space<hbm>>
    %dma_start3A_224 = tpu.memref_squeeze %dma_start3A_223 : memref<128x1x64xf32, #tpu.memory_space<hbm>> -> memref<128x64xf32, #tpu.memory_space<hbm>>
    %dma_start3A_225 = arith.constant 0 : i32
    %dma_start3A_226 = tpu.memref_slice %arg4[%mul3A_191, %add3A_215, %dma_start3A_225] : memref<4096x200x128xf32, #tpu.memory_space<hbm>> -> memref<128x1x64xf32, #tpu.memory_space<hbm>>
    %dma_start3A_227 = tpu.memref_squeeze %dma_start3A_226 : memref<128x1x64xf32, #tpu.memory_space<hbm>> -> memref<128x64xf32, #tpu.memory_space<hbm>>
    %dma_start3A_228 = arith.constant 0 : i32
    %dma_start3A_229 = arith.constant 0 : i32
    %dma_start3A_230 = tpu.memref_slice %arg6[%dma_start3A_216, %dma_start3A_217, %dma_start3A_228, %dma_start3A_229] : memref<2x4x128x64xf32, #tpu.memory_space<vmem>> -> memref<1x1x128x64xf32, #tpu.memory_space<vmem>>
    %dma_start3A_231 = tpu.memref_squeeze %dma_start3A_230 : memref<1x1x128x64xf32, #tpu.memory_space<vmem>> -> memref<128x64xf32, #tpu.memory_space<vmem>>
    tpu.enqueue_dma source(%dma_start3A_231 : memref<128x64xf32, #tpu.memory_space<vmem>>) target(%dma_start3A_227 : memref<128x64xf32, #tpu.memory_space<hbm>>) target_semaphore(%arg9 : memref<!tpu.dma_semaphore, #tpu.memory_space<semaphore_mem>>)
    %add3A_232 = arith.constant 2 : i32
    %add3A_233 = arith.addi %add3A_195, %add3A_232 : i32
    %dma_start3A_234 = arith.constant 0 : i32
    %dma_start3A_235 = arith.constant 2 : i32
    %dma_start3A_236 = arith.constant 0 : i32
    %dma_start3A_237 = arith.constant 0 : i32
    %dma_start3A_238 = tpu.memref_slice %arg6[%dma_start3A_234, %dma_start3A_235, %dma_start3A_236, %dma_start3A_237] : memref<2x4x128x64xf32, #tpu.memory_space<vmem>> -> memref<1x1x128x64xf32, #tpu.memory_space<vmem>>
    %dma_start3A_239 = tpu.memref_squeeze %dma_start3A_238 : memref<1x1x128x64xf32, #tpu.memory_space<vmem>> -> memref<128x64xf32, #tpu.memory_space<vmem>>
    %dma_start3A_240 = arith.constant 0 : i32
    %dma_start3A_241 = tpu.memref_slice %arg4[%mul3A_191, %add3A_233, %dma_start3A_240] : memref<4096x200x128xf32, #tpu.memory_space<hbm>> -> memref<128x1x64xf32, #tpu.memory_space<hbm>>
    %dma_start3A_242 = tpu.memref_squeeze %dma_start3A_241 : memref<128x1x64xf32, #tpu.memory_space<hbm>> -> memref<128x64xf32, #tpu.memory_space<hbm>>
    %dma_start3A_243 = arith.constant 0 : i32
    %dma_start3A_244 = tpu.memref_slice %arg4[%mul3A_191, %add3A_233, %dma_start3A_243] : memref<4096x200x128xf32, #tpu.memory_space<hbm>> -> memref<128x1x64xf32, #tpu.memory_space<hbm>>
    %dma_start3A_245 = tpu.memref_squeeze %dma_start3A_244 : memref<128x1x64xf32, #tpu.memory_space<hbm>> -> memref<128x64xf32, #tpu.memory_space<hbm>>
    %dma_start3A_246 = arith.constant 0 : i32
    %dma_start3A_247 = arith.constant 0 : i32
    %dma_start3A_248 = tpu.memref_slice %arg6[%dma_start3A_234, %dma_start3A_235, %dma_start3A_246, %dma_start3A_247] : memref<2x4x128x64xf32, #tpu.memory_space<vmem>> -> memref<1x1x128x64xf32, #tpu.memory_space<vmem>>
    %dma_start3A_249 = tpu.memref_squeeze %dma_start3A_248 : memref<1x1x128x64xf32, #tpu.memory_space<vmem>> -> memref<128x64xf32, #tpu.memory_space<vmem>>
    tpu.enqueue_dma source(%dma_start3A_249 : memref<128x64xf32, #tpu.memory_space<vmem>>) target(%dma_start3A_245 : memref<128x64xf32, #tpu.memory_space<hbm>>) target_semaphore(%arg9 : memref<!tpu.dma_semaphore, #tpu.memory_space<semaphore_mem>>)
    %add3A_250 = arith.constant 3 : i32
    %add3A_251 = arith.addi %add3A_195, %add3A_250 : i32
    %dma_start3A_252 = arith.constant 0 : i32
    %dma_start3A_253 = arith.constant 3 : i32
    %dma_start3A_254 = arith.constant 0 : i32
    %dma_start3A_255 = arith.constant 0 : i32
    %dma_start3A_256 = tpu.memref_slice %arg6[%dma_start3A_252, %dma_start3A_253, %dma_start3A_254, %dma_start3A_255] : memref<2x4x128x64xf32, #tpu.memory_space<vmem>> -> memref<1x1x128x64xf32, #tpu.memory_space<vmem>>
    %dma_start3A_257 = tpu.memref_squeeze %dma_start3A_256 : memref<1x1x128x64xf32, #tpu.memory_space<vmem>> -> memref<128x64xf32, #tpu.memory_space<vmem>>
    %dma_start3A_258 = arith.constant 0 : i32
    %dma_start3A_259 = tpu.memref_slice %arg4[%mul3A_191, %add3A_251, %dma_start3A_258] : memref<4096x200x128xf32, #tpu.memory_space<hbm>> -> memref<128x1x64xf32, #tpu.memory_space<hbm>>
    %dma_start3A_260 = tpu.memref_squeeze %dma_start3A_259 : memref<128x1x64xf32, #tpu.memory_space<hbm>> -> memref<128x64xf32, #tpu.memory_space<hbm>>
    %dma_start3A_261 = arith.constant 0 : i32
    %dma_start3A_262 = tpu.memref_slice %arg4[%mul3A_191, %add3A_251, %dma_start3A_261] : memref<4096x200x128xf32, #tpu.memory_space<hbm>> -> memref<128x1x64xf32, #tpu.memory_space<hbm>>
    %dma_start3A_263 = tpu.memref_squeeze %dma_start3A_262 : memref<128x1x64xf32, #tpu.memory_space<hbm>> -> memref<128x64xf32, #tpu.memory_space<hbm>>
    %dma_start3A_264 = arith.constant 0 : i32
    %dma_start3A_265 = arith.constant 0 : i32
    %dma_start3A_266 = tpu.memref_slice %arg6[%dma_start3A_252, %dma_start3A_253, %dma_start3A_264, %dma_start3A_265] : memref<2x4x128x64xf32, #tpu.memory_space<vmem>> -> memref<1x1x128x64xf32, #tpu.memory_space<vmem>>
    %dma_start3A_267 = tpu.memref_squeeze %dma_start3A_266 : memref<1x1x128x64xf32, #tpu.memory_space<vmem>> -> memref<128x64xf32, #tpu.memory_space<vmem>>
    tpu.enqueue_dma source(%dma_start3A_267 : memref<128x64xf32, #tpu.memory_space<vmem>>) target(%dma_start3A_263 : memref<128x64xf32, #tpu.memory_space<hbm>>) target_semaphore(%arg9 : memref<!tpu.dma_semaphore, #tpu.memory_space<semaphore_mem>>)
    %scan3A = arith.constant 0 : i32
    %scan3A_268 = arith.constant 0 : i32
    %scan3A_269 = arith.constant 24 : i32
    %scan3A_270 = arith.addi %scan3A_268, %scan3A_269 : i32
    %scan3A_271 = arith.constant 1 : i32
    scf.for %scan3A_588 = %scan3A_268 to %scan3A_270 step %scan3A_271  : i32 {
      %mul3A_589 = arith.constant 2 : i32
      %mul3A_590 = arith.muli %mul3A_589, %scan3A_588 : i32
      %add3A_591 = arith.constant 1 : i32
      %add3A_592 = arith.addi %mul3A_590, %add3A_591 : i32
      %dma_wait3A_593 = arith.constant 0 : i32
      %dma_wait3A_594 = arith.constant 0 : i32
      %dma_wait3A_595 = arith.constant 0 : i32
      %dma_wait3A_596 = arith.constant 0 : i32
      %dma_wait3A_597 = arith.constant 0 : i32
      %dma_wait3A_598 = tpu.memref_slice %arg6[%dma_wait3A_593, %dma_wait3A_594, %dma_wait3A_596, %dma_wait3A_597] : memref<2x4x128x64xf32, #tpu.memory_space<vmem>> -> memref<1x1x128x64xf32, #tpu.memory_space<vmem>>
      %dma_wait3A_599 = tpu.memref_squeeze %dma_wait3A_598 : memref<1x1x128x64xf32, #tpu.memory_space<vmem>> -> memref<128x64xf32, #tpu.memory_space<vmem>>
      %dma_wait3A_600 = arith.constant 0 : i32
      %dma_wait3A_601 = arith.constant 0 : i32
      %dma_wait3A_602 = tpu.memref_slice %arg4[%dma_wait3A_600, %dma_wait3A_595, %dma_wait3A_601] : memref<4096x200x128xf32, #tpu.memory_space<hbm>> -> memref<128x1x64xf32, #tpu.memory_space<hbm>>
      %dma_wait3A_603 = tpu.memref_squeeze %dma_wait3A_602 : memref<128x1x64xf32, #tpu.memory_space<hbm>> -> memref<128x64xf32, #tpu.memory_space<hbm>>
      %dma_wait3A_604 = arith.constant 0 : i32
      %dma_wait3A_605 = arith.constant 0 : i32
      %dma_wait3A_606 = tpu.memref_slice %arg4[%dma_wait3A_604, %dma_wait3A_595, %dma_wait3A_605] : memref<4096x200x128xf32, #tpu.memory_space<hbm>> -> memref<128x1x64xf32, #tpu.memory_space<hbm>>
      %dma_wait3A_607 = tpu.memref_squeeze %dma_wait3A_606 : memref<128x1x64xf32, #tpu.memory_space<hbm>> -> memref<128x64xf32, #tpu.memory_space<hbm>>
      %dma_wait3A_608 = arith.constant 0 : i32
      %dma_wait3A_609 = arith.constant 0 : i32
      %dma_wait3A_610 = tpu.memref_slice %arg6[%dma_wait3A_593, %dma_wait3A_594, %dma_wait3A_608, %dma_wait3A_609] : memref<2x4x128x64xf32, #tpu.memory_space<vmem>> -> memref<1x1x128x64xf32, #tpu.memory_space<vmem>>
      %dma_wait3A_611 = tpu.memref_squeeze %dma_wait3A_610 : memref<1x1x128x64xf32, #tpu.memory_space<vmem>> -> memref<128x64xf32, #tpu.memory_space<vmem>>
      tpu.wait_dma2 semaphore(%arg9 : memref<!tpu.dma_semaphore, #tpu.memory_space<semaphore_mem>>) src(%dma_wait3A_611 : memref<128x64xf32, #tpu.memory_space<vmem>>) dst(%dma_wait3A_607 : memref<128x64xf32, #tpu.memory_space<hbm>>)
      %dma_wait3A_612 = arith.constant 0 : i32
      %dma_wait3A_613 = arith.constant 1 : i32
      %dma_wait3A_614 = arith.constant 0 : i32
      %dma_wait3A_615 = arith.constant 0 : i32
      %dma_wait3A_616 = arith.constant 0 : i32
      %dma_wait3A_617 = tpu.memref_slice %arg6[%dma_wait3A_612, %dma_wait3A_613, %dma_wait3A_615, %dma_wait3A_616] : memref<2x4x128x64xf32, #tpu.memory_space<vmem>> -> memref<1x1x128x64xf32, #tpu.memory_space<vmem>>
      %dma_wait3A_618 = tpu.memref_squeeze %dma_wait3A_617 : memref<1x1x128x64xf32, #tpu.memory_space<vmem>> -> memref<128x64xf32, #tpu.memory_space<vmem>>
      %dma_wait3A_619 = arith.constant 0 : i32
      %dma_wait3A_620 = arith.constant 0 : i32
      %dma_wait3A_621 = tpu.memref_slice %arg4[%dma_wait3A_619, %dma_wait3A_614, %dma_wait3A_620] : memref<4096x200x128xf32, #tpu.memory_space<hbm>> -> memref<128x1x64xf32, #tpu.memory_space<hbm>>
      %dma_wait3A_622 = tpu.memref_squeeze %dma_wait3A_621 : memref<128x1x64xf32, #tpu.memory_space<hbm>> -> memref<128x64xf32, #tpu.memory_space<hbm>>
      %dma_wait3A_623 = arith.constant 0 : i32
      %dma_wait3A_624 = arith.constant 0 : i32
      %dma_wait3A_625 = tpu.memref_slice %arg4[%dma_wait3A_623, %dma_wait3A_614, %dma_wait3A_624] : memref<4096x200x128xf32, #tpu.memory_space<hbm>> -> memref<128x1x64xf32, #tpu.memory_space<hbm>>
      %dma_wait3A_626 = tpu.memref_squeeze %dma_wait3A_625 : memref<128x1x64xf32, #tpu.memory_space<hbm>> -> memref<128x64xf32, #tpu.memory_space<hbm>>
      %dma_wait3A_627 = arith.constant 0 : i32
      %dma_wait3A_628 = arith.constant 0 : i32
      %dma_wait3A_629 = tpu.memref_slice %arg6[%dma_wait3A_612, %dma_wait3A_613, %dma_wait3A_627, %dma_wait3A_628] : memref<2x4x128x64xf32, #tpu.memory_space<vmem>> -> memref<1x1x128x64xf32, #tpu.memory_space<vmem>>
      %dma_wait3A_630 = tpu.memref_squeeze %dma_wait3A_629 : memref<1x1x128x64xf32, #tpu.memory_space<vmem>> -> memref<128x64xf32, #tpu.memory_space<vmem>>
      tpu.wait_dma2 semaphore(%arg9 : memref<!tpu.dma_semaphore, #tpu.memory_space<semaphore_mem>>) src(%dma_wait3A_630 : memref<128x64xf32, #tpu.memory_space<vmem>>) dst(%dma_wait3A_626 : memref<128x64xf32, #tpu.memory_space<hbm>>)
      %dma_wait3A_631 = arith.constant 0 : i32
      %dma_wait3A_632 = arith.constant 2 : i32
      %dma_wait3A_633 = arith.constant 0 : i32
      %dma_wait3A_634 = arith.constant 0 : i32
      %dma_wait3A_635 = arith.constant 0 : i32
      %dma_wait3A_636 = tpu.memref_slice %arg6[%dma_wait3A_631, %dma_wait3A_632, %dma_wait3A_634, %dma_wait3A_635] : memref<2x4x128x64xf32, #tpu.memory_space<vmem>> -> memref<1x1x128x64xf32, #tpu.memory_space<vmem>>
      %dma_wait3A_637 = tpu.memref_squeeze %dma_wait3A_636 : memref<1x1x128x64xf32, #tpu.memory_space<vmem>> -> memref<128x64xf32, #tpu.memory_space<vmem>>
      %dma_wait3A_638 = arith.constant 0 : i32
      %dma_wait3A_639 = arith.constant 0 : i32
      %dma_wait3A_640 = tpu.memref_slice %arg4[%dma_wait3A_638, %dma_wait3A_633, %dma_wait3A_639] : memref<4096x200x128xf32, #tpu.memory_space<hbm>> -> memref<128x1x64xf32, #tpu.memory_space<hbm>>
      %dma_wait3A_641 = tpu.memref_squeeze %dma_wait3A_640 : memref<128x1x64xf32, #tpu.memory_space<hbm>> -> memref<128x64xf32, #tpu.memory_space<hbm>>
      %dma_wait3A_642 = arith.constant 0 : i32
      %dma_wait3A_643 = arith.constant 0 : i32
      %dma_wait3A_644 = tpu.memref_slice %arg4[%dma_wait3A_642, %dma_wait3A_633, %dma_wait3A_643] : memref<4096x200x128xf32, #tpu.memory_space<hbm>> -> memref<128x1x64xf32, #tpu.memory_space<hbm>>
      %dma_wait3A_645 = tpu.memref_squeeze %dma_wait3A_644 : memref<128x1x64xf32, #tpu.memory_space<hbm>> -> memref<128x64xf32, #tpu.memory_space<hbm>>
      %dma_wait3A_646 = arith.constant 0 : i32
      %dma_wait3A_647 = arith.constant 0 : i32
      %dma_wait3A_648 = tpu.memref_slice %arg6[%dma_wait3A_631, %dma_wait3A_632, %dma_wait3A_646, %dma_wait3A_647] : memref<2x4x128x64xf32, #tpu.memory_space<vmem>> -> memref<1x1x128x64xf32, #tpu.memory_space<vmem>>
      %dma_wait3A_649 = tpu.memref_squeeze %dma_wait3A_648 : memref<1x1x128x64xf32, #tpu.memory_space<vmem>> -> memref<128x64xf32, #tpu.memory_space<vmem>>
      tpu.wait_dma2 semaphore(%arg9 : memref<!tpu.dma_semaphore, #tpu.memory_space<semaphore_mem>>) src(%dma_wait3A_649 : memref<128x64xf32, #tpu.memory_space<vmem>>) dst(%dma_wait3A_645 : memref<128x64xf32, #tpu.memory_space<hbm>>)
      %dma_wait3A_650 = arith.constant 0 : i32
      %dma_wait3A_651 = arith.constant 3 : i32
      %dma_wait3A_652 = arith.constant 0 : i32
      %dma_wait3A_653 = arith.constant 0 : i32
      %dma_wait3A_654 = arith.constant 0 : i32
      %dma_wait3A_655 = tpu.memref_slice %arg6[%dma_wait3A_650, %dma_wait3A_651, %dma_wait3A_653, %dma_wait3A_654] : memref<2x4x128x64xf32, #tpu.memory_space<vmem>> -> memref<1x1x128x64xf32, #tpu.memory_space<vmem>>
      %dma_wait3A_656 = tpu.memref_squeeze %dma_wait3A_655 : memref<1x1x128x64xf32, #tpu.memory_space<vmem>> -> memref<128x64xf32, #tpu.memory_space<vmem>>
      %dma_wait3A_657 = arith.constant 0 : i32
      %dma_wait3A_658 = arith.constant 0 : i32
      %dma_wait3A_659 = tpu.memref_slice %arg4[%dma_wait3A_657, %dma_wait3A_652, %dma_wait3A_658] : memref<4096x200x128xf32, #tpu.memory_space<hbm>> -> memref<128x1x64xf32, #tpu.memory_space<hbm>>
      %dma_wait3A_660 = tpu.memref_squeeze %dma_wait3A_659 : memref<128x1x64xf32, #tpu.memory_space<hbm>> -> memref<128x64xf32, #tpu.memory_space<hbm>>
      %dma_wait3A_661 = arith.constant 0 : i32
      %dma_wait3A_662 = arith.constant 0 : i32
      %dma_wait3A_663 = tpu.memref_slice %arg4[%dma_wait3A_661, %dma_wait3A_652, %dma_wait3A_662] : memref<4096x200x128xf32, #tpu.memory_space<hbm>> -> memref<128x1x64xf32, #tpu.memory_space<hbm>>
      %dma_wait3A_664 = tpu.memref_squeeze %dma_wait3A_663 : memref<128x1x64xf32, #tpu.memory_space<hbm>> -> memref<128x64xf32, #tpu.memory_space<hbm>>
      %dma_wait3A_665 = arith.constant 0 : i32
      %dma_wait3A_666 = arith.constant 0 : i32
      %dma_wait3A_667 = tpu.memref_slice %arg6[%dma_wait3A_650, %dma_wait3A_651, %dma_wait3A_665, %dma_wait3A_666] : memref<2x4x128x64xf32, #tpu.memory_space<vmem>> -> memref<1x1x128x64xf32, #tpu.memory_space<vmem>>
      %dma_wait3A_668 = tpu.memref_squeeze %dma_wait3A_667 : memref<1x1x128x64xf32, #tpu.memory_space<vmem>> -> memref<128x64xf32, #tpu.memory_space<vmem>>
      tpu.wait_dma2 semaphore(%arg9 : memref<!tpu.dma_semaphore, #tpu.memory_space<semaphore_mem>>) src(%dma_wait3A_668 : memref<128x64xf32, #tpu.memory_space<vmem>>) dst(%dma_wait3A_664 : memref<128x64xf32, #tpu.memory_space<hbm>>)
      %add3A_669 = arith.constant 1 : i32
      %add3A_670 = arith.addi %add3A_592, %add3A_669 : i32
      %jit3A_671 = arith.constant 2 : i32
      %div3A_672 = arith.divsi %add3A_670, %jit3A_671 : i32
      %sign3A_673 = arith.constant 0 : i32
      %sign3A_674 = arith.cmpi sgt, %add3A_670, %sign3A_673 : i32
      %sign3A_675 = arith.extui %sign3A_674 : i1 to i32
      %sign3A_676 = arith.constant 0 : i32
      %sign3A_677 = arith.cmpi slt, %add3A_670, %sign3A_676 : i32
      %sign3A_678 = arith.extui %sign3A_677 : i1 to i32
      %sign3A_679 = arith.subi %sign3A_675, %sign3A_678 : i32
      %sign3A_680 = arith.constant 0 : i32
      %sign3A_681 = arith.cmpi sgt, %jit3A_671, %sign3A_680 : i32
      %sign3A_682 = arith.extui %sign3A_681 : i1 to i32
      %sign3A_683 = arith.constant 0 : i32
      %sign3A_684 = arith.cmpi slt, %jit3A_671, %sign3A_683 : i32
      %sign3A_685 = arith.extui %sign3A_684 : i1 to i32
      %sign3A_686 = arith.subi %sign3A_682, %sign3A_685 : i32
      %ne3A_687 = arith.cmpi ne, %sign3A_679, %sign3A_686 : i32
      %rem3A_688 = arith.remsi %add3A_670, %jit3A_671 : i32
      %ne3A_689 = arith.constant 0 : i32
      %ne3A_690 = arith.cmpi ne, %rem3A_688, %ne3A_689 : i32
      %and3A_691 = arith.andi %ne3A_687, %ne3A_690 : i1
      %sub3A_692 = arith.constant 1 : i32
      %sub3A_693 = arith.subi %div3A_672, %sub3A_692 : i32
      %select_n3A_694 = arith.select %and3A_691, %sub3A_693, %div3A_672 : i32
      %jit3A_695 = arith.constant 2 : i32
      %eq3A = arith.constant 0 : i32
      %eq3A_696 = arith.cmpi eq, %jit3A_695, %eq3A : i32
      %jit3A_697 = arith.constant 1 : i32
      %select_n3A_698 = arith.select %eq3A_696, %jit3A_697, %jit3A_695 : i32
      %rem3A_699 = arith.remsi %add3A_670, %select_n3A_698 : i32
      %ne3A_700 = arith.constant 0 : i32
      %ne3A_701 = arith.cmpi ne, %rem3A_699, %ne3A_700 : i32
      %lt3A = arith.constant 0 : i32
      %lt3A_702 = arith.cmpi slt, %rem3A_699, %lt3A : i32
      %lt3A_703 = arith.constant 0 : i32
      %lt3A_704 = arith.cmpi slt, %select_n3A_698, %lt3A_703 : i32
      %ne3A_705 = arith.xori %lt3A_702, %lt3A_704 : i1
      %and3A_706 = arith.andi %ne3A_705, %ne3A_701 : i1
      %add3A_707 = arith.addi %rem3A_699, %select_n3A_698 : i32
      %select_n3A_708 = arith.select %and3A_706, %add3A_707, %rem3A_699 : i32
      %mul3A_709 = arith.constant 4 : i32
      %mul3A_710 = arith.muli %select_n3A_708, %mul3A_709 : i32
      %add3A_711 = arith.constant 0 : i32
      %add3A_712 = arith.addi %mul3A_710, %add3A_711 : i32
      %dma_start3A_713 = arith.constant 0 : i32
      %dma_start3A_714 = arith.constant 0 : i32
      %dma_start3A_715 = arith.constant 0 : i32
      %dma_start3A_716 = arith.constant 0 : i32
      %dma_start3A_717 = tpu.memref_slice %arg6[%dma_start3A_713, %dma_start3A_714, %dma_start3A_715, %dma_start3A_716] : memref<2x4x128x64xf32, #tpu.memory_space<vmem>> -> memref<1x1x128x64xf32, #tpu.memory_space<vmem>>
      %dma_start3A_718 = tpu.memref_squeeze %dma_start3A_717 : memref<1x1x128x64xf32, #tpu.memory_space<vmem>> -> memref<128x64xf32, #tpu.memory_space<vmem>>
      %dma_start3A_719 = arith.constant 0 : i32
      %dma_start3A_720 = tpu.memref_slice %arg5[%select_n3A_694, %add3A_712, %dma_start3A_719] : memref<25x8x128xi32, #tpu.memory_space<vmem>> -> memref<1x1x128xi32, #tpu.memory_space<vmem>>
      %dma_start3A_721 = tpu.memref_squeeze %dma_start3A_720 : memref<1x1x128xi32, #tpu.memory_space<vmem>> -> memref<128xi32, #tpu.memory_space<vmem>>
      %dma_start3A_722 = arith.constant 0 : i32
      %dma_start3A_723 = arith.constant 0 : i32
      %dma_start3A_724 = tpu.memref_slice %arg3[%dma_start3A_722, %dma_start3A_723] : memref<1000000x64xf32, #tpu.memory_space<hbm>> -> memref<1000000x64xf32, #tpu.memory_space<hbm>>
      tpu.enqueue_indirect_dma source(%dma_start3A_724 : memref<1000000x64xf32, #tpu.memory_space<hbm>>) target(%dma_start3A_718 : memref<128x64xf32, #tpu.memory_space<vmem>>) offsets(%dma_start3A_721 : memref<128xi32, #tpu.memory_space<vmem>>) semaphore(%arg7 : memref<!tpu.dma_semaphore, #tpu.memory_space<semaphore_mem>>)
      %add3A_725 = arith.constant 1 : i32
      %add3A_726 = arith.addi %mul3A_710, %add3A_725 : i32
      %dma_start3A_727 = arith.constant 0 : i32
      %dma_start3A_728 = arith.constant 1 : i32
      %dma_start3A_729 = arith.constant 0 : i32
      %dma_start3A_730 = arith.constant 0 : i32
      %dma_start3A_731 = tpu.memref_slice %arg6[%dma_start3A_727, %dma_start3A_728, %dma_start3A_729, %dma_start3A_730] : memref<2x4x128x64xf32, #tpu.memory_space<vmem>> -> memref<1x1x128x64xf32, #tpu.memory_space<vmem>>
      %dma_start3A_732 = tpu.memref_squeeze %dma_start3A_731 : memref<1x1x128x64xf32, #tpu.memory_space<vmem>> -> memref<128x64xf32, #tpu.memory_space<vmem>>
      %dma_start3A_733 = arith.constant 0 : i32
      %dma_start3A_734 = tpu.memref_slice %arg5[%select_n3A_694, %add3A_726, %dma_start3A_733] : memref<25x8x128xi32, #tpu.memory_space<vmem>> -> memref<1x1x128xi32, #tpu.memory_space<vmem>>
      %dma_start3A_735 = tpu.memref_squeeze %dma_start3A_734 : memref<1x1x128xi32, #tpu.memory_space<vmem>> -> memref<128xi32, #tpu.memory_space<vmem>>
      %dma_start3A_736 = arith.constant 0 : i32
      %dma_start3A_737 = arith.constant 0 : i32
      %dma_start3A_738 = tpu.memref_slice %arg3[%dma_start3A_736, %dma_start3A_737] : memref<1000000x64xf32, #tpu.memory_space<hbm>> -> memref<1000000x64xf32, #tpu.memory_space<hbm>>
      tpu.enqueue_indirect_dma source(%dma_start3A_738 : memref<1000000x64xf32, #tpu.memory_space<hbm>>) target(%dma_start3A_732 : memref<128x64xf32, #tpu.memory_space<vmem>>) offsets(%dma_start3A_735 : memref<128xi32, #tpu.memory_space<vmem>>) semaphore(%arg7 : memref<!tpu.dma_semaphore, #tpu.memory_space<semaphore_mem>>)
      %add3A_739 = arith.constant 2 : i32
      %add3A_740 = arith.addi %mul3A_710, %add3A_739 : i32
      %dma_start3A_741 = arith.constant 0 : i32
      %dma_start3A_742 = arith.constant 2 : i32
      %dma_start3A_743 = arith.constant 0 : i32
      %dma_start3A_744 = arith.constant 0 : i32
      %dma_start3A_745 = tpu.memref_slice %arg6[%dma_start3A_741, %dma_start3A_742, %dma_start3A_743, %dma_start3A_744] : memref<2x4x128x64xf32, #tpu.memory_space<vmem>> -> memref<1x1x128x64xf32, #tpu.memory_space<vmem>>
      %dma_start3A_746 = tpu.memref_squeeze %dma_start3A_745 : memref<1x1x128x64xf32, #tpu.memory_space<vmem>> -> memref<128x64xf32, #tpu.memory_space<vmem>>
      %dma_start3A_747 = arith.constant 0 : i32
      %dma_start3A_748 = tpu.memref_slice %arg5[%select_n3A_694, %add3A_740, %dma_start3A_747] : memref<25x8x128xi32, #tpu.memory_space<vmem>> -> memref<1x1x128xi32, #tpu.memory_space<vmem>>
      %dma_start3A_749 = tpu.memref_squeeze %dma_start3A_748 : memref<1x1x128xi32, #tpu.memory_space<vmem>> -> memref<128xi32, #tpu.memory_space<vmem>>
      %dma_start3A_750 = arith.constant 0 : i32
      %dma_start3A_751 = arith.constant 0 : i32
      %dma_start3A_752 = tpu.memref_slice %arg3[%dma_start3A_750, %dma_start3A_751] : memref<1000000x64xf32, #tpu.memory_space<hbm>> -> memref<1000000x64xf32, #tpu.memory_space<hbm>>
      tpu.enqueue_indirect_dma source(%dma_start3A_752 : memref<1000000x64xf32, #tpu.memory_space<hbm>>) target(%dma_start3A_746 : memref<128x64xf32, #tpu.memory_space<vmem>>) offsets(%dma_start3A_749 : memref<128xi32, #tpu.memory_space<vmem>>) semaphore(%arg7 : memref<!tpu.dma_semaphore, #tpu.memory_space<semaphore_mem>>)
      %add3A_753 = arith.constant 3 : i32
      %add3A_754 = arith.addi %mul3A_710, %add3A_753 : i32
      %dma_start3A_755 = arith.constant 0 : i32
      %dma_start3A_756 = arith.constant 3 : i32
      %dma_start3A_757 = arith.constant 0 : i32
      %dma_start3A_758 = arith.constant 0 : i32
      %dma_start3A_759 = tpu.memref_slice %arg6[%dma_start3A_755, %dma_start3A_756, %dma_start3A_757, %dma_start3A_758] : memref<2x4x128x64xf32, #tpu.memory_space<vmem>> -> memref<1x1x128x64xf32, #tpu.memory_space<vmem>>
      %dma_start3A_760 = tpu.memref_squeeze %dma_start3A_759 : memref<1x1x128x64xf32, #tpu.memory_space<vmem>> -> memref<128x64xf32, #tpu.memory_space<vmem>>
      %dma_start3A_761 = arith.constant 0 : i32
      %dma_start3A_762 = tpu.memref_slice %arg5[%select_n3A_694, %add3A_754, %dma_start3A_761] : memref<25x8x128xi32, #tpu.memory_space<vmem>> -> memref<1x1x128xi32, #tpu.memory_space<vmem>>
      %dma_start3A_763 = tpu.memref_squeeze %dma_start3A_762 : memref<1x1x128xi32, #tpu.memory_space<vmem>> -> memref<128xi32, #tpu.memory_space<vmem>>
      %dma_start3A_764 = arith.constant 0 : i32
      %dma_start3A_765 = arith.constant 0 : i32
      %dma_start3A_766 = tpu.memref_slice %arg3[%dma_start3A_764, %dma_start3A_765] : memref<1000000x64xf32, #tpu.memory_space<hbm>> -> memref<1000000x64xf32, #tpu.memory_space<hbm>>
      tpu.enqueue_indirect_dma source(%dma_start3A_766 : memref<1000000x64xf32, #tpu.memory_space<hbm>>) target(%dma_start3A_760 : memref<128x64xf32, #tpu.memory_space<vmem>>) offsets(%dma_start3A_763 : memref<128xi32, #tpu.memory_space<vmem>>) semaphore(%arg7 : memref<!tpu.dma_semaphore, #tpu.memory_space<semaphore_mem>>)
      %dma_wait3A_767 = arith.constant 0 : i32
      %dma_wait3A_768 = arith.constant 0 : i32
      %dma_wait3A_769 = arith.constant 1 : i32
      %dma_wait3A_770 = arith.constant 0 : i32
      %dma_wait3A_771 = arith.constant 0 : i32
      %dma_wait3A_772 = arith.constant 0 : i32
      %dma_wait3A_773 = tpu.memref_slice %arg6[%dma_wait3A_769, %dma_wait3A_770, %dma_wait3A_771, %dma_wait3A_772] : memref<2x4x128x64xf32, #tpu.memory_space<vmem>> -> memref<1x1x128x64xf32, #tpu.memory_space<vmem>>
      %dma_wait3A_774 = tpu.memref_squeeze %dma_wait3A_773 : memref<1x1x128x64xf32, #tpu.memory_space<vmem>> -> memref<128x64xf32, #tpu.memory_space<vmem>>
      %dma_wait3A_775 = arith.constant 0 : i32
      %dma_wait3A_776 = tpu.memref_slice %arg5[%dma_wait3A_767, %dma_wait3A_768, %dma_wait3A_775] : memref<25x8x128xi32, #tpu.memory_space<vmem>> -> memref<1x1x128xi32, #tpu.memory_space<vmem>>
      %dma_wait3A_777 = tpu.memref_squeeze %dma_wait3A_776 : memref<1x1x128xi32, #tpu.memory_space<vmem>> -> memref<128xi32, #tpu.memory_space<vmem>>
      %dma_wait3A_778 = arith.constant 0 : i32
      %dma_wait3A_779 = arith.constant 0 : i32
      %dma_wait3A_780 = tpu.memref_slice %arg3[%dma_wait3A_778, %dma_wait3A_779] : memref<1000000x64xf32, #tpu.memory_space<hbm>> -> memref<1000000x64xf32, #tpu.memory_space<hbm>>
      tpu.wait_indirect_dma semaphore(%arg8 : memref<!tpu.dma_semaphore, #tpu.memory_space<semaphore_mem>>) src(%dma_wait3A_780 : memref<1000000x64xf32, #tpu.memory_space<hbm>>) dst(%dma_wait3A_774 : memref<128x64xf32, #tpu.memory_space<vmem>>)
      %dma_wait3A_781 = arith.constant 0 : i32
      %dma_wait3A_782 = arith.constant 1 : i32
      %dma_wait3A_783 = arith.constant 1 : i32
      %dma_wait3A_784 = arith.constant 1 : i32
      %dma_wait3A_785 = arith.constant 0 : i32
      %dma_wait3A_786 = arith.constant 0 : i32
      %dma_wait3A_787 = tpu.memref_slice %arg6[%dma_wait3A_783, %dma_wait3A_784, %dma_wait3A_785, %dma_wait3A_786] : memref<2x4x128x64xf32, #tpu.memory_space<vmem>> -> memref<1x1x128x64xf32, #tpu.memory_space<vmem>>
      %dma_wait3A_788 = tpu.memref_squeeze %dma_wait3A_787 : memref<1x1x128x64xf32, #tpu.memory_space<vmem>> -> memref<128x64xf32, #tpu.memory_space<vmem>>
      %dma_wait3A_789 = arith.constant 0 : i32
      %dma_wait3A_790 = tpu.memref_slice %arg5[%dma_wait3A_781, %dma_wait3A_782, %dma_wait3A_789] : memref<25x8x128xi32, #tpu.memory_space<vmem>> -> memref<1x1x128xi32, #tpu.memory_space<vmem>>
      %dma_wait3A_791 = tpu.memref_squeeze %dma_wait3A_790 : memref<1x1x128xi32, #tpu.memory_space<vmem>> -> memref<128xi32, #tpu.memory_space<vmem>>
      %dma_wait3A_792 = arith.constant 0 : i32
      %dma_wait3A_793 = arith.constant 0 : i32
      %dma_wait3A_794 = tpu.memref_slice %arg3[%dma_wait3A_792, %dma_wait3A_793] : memref<1000000x64xf32, #tpu.memory_space<hbm>> -> memref<1000000x64xf32, #tpu.memory_space<hbm>>
      tpu.wait_indirect_dma semaphore(%arg8 : memref<!tpu.dma_semaphore, #tpu.memory_space<semaphore_mem>>) src(%dma_wait3A_794 : memref<1000000x64xf32, #tpu.memory_space<hbm>>) dst(%dma_wait3A_788 : memref<128x64xf32, #tpu.memory_space<vmem>>)
      %dma_wait3A_795 = arith.constant 0 : i32
      %dma_wait3A_796 = arith.constant 2 : i32
      %dma_wait3A_797 = arith.constant 1 : i32
      %dma_wait3A_798 = arith.constant 2 : i32
      %dma_wait3A_799 = arith.constant 0 : i32
      %dma_wait3A_800 = arith.constant 0 : i32
      %dma_wait3A_801 = tpu.memref_slice %arg6[%dma_wait3A_797, %dma_wait3A_798, %dma_wait3A_799, %dma_wait3A_800] : memref<2x4x128x64xf32, #tpu.memory_space<vmem>> -> memref<1x1x128x64xf32, #tpu.memory_space<vmem>>
      %dma_wait3A_802 = tpu.memref_squeeze %dma_wait3A_801 : memref<1x1x128x64xf32, #tpu.memory_space<vmem>> -> memref<128x64xf32, #tpu.memory_space<vmem>>
      %dma_wait3A_803 = arith.constant 0 : i32
      %dma_wait3A_804 = tpu.memref_slice %arg5[%dma_wait3A_795, %dma_wait3A_796, %dma_wait3A_803] : memref<25x8x128xi32, #tpu.memory_space<vmem>> -> memref<1x1x128xi32, #tpu.memory_space<vmem>>
      %dma_wait3A_805 = tpu.memref_squeeze %dma_wait3A_804 : memref<1x1x128xi32, #tpu.memory_space<vmem>> -> memref<128xi32, #tpu.memory_space<vmem>>
      %dma_wait3A_806 = arith.constant 0 : i32
      %dma_wait3A_807 = arith.constant 0 : i32
      %dma_wait3A_808 = tpu.memref_slice %arg3[%dma_wait3A_806, %dma_wait3A_807] : memref<1000000x64xf32, #tpu.memory_space<hbm>> -> memref<1000000x64xf32, #tpu.memory_space<hbm>>
      tpu.wait_indirect_dma semaphore(%arg8 : memref<!tpu.dma_semaphore, #tpu.memory_space<semaphore_mem>>) src(%dma_wait3A_808 : memref<1000000x64xf32, #tpu.memory_space<hbm>>) dst(%dma_wait3A_802 : memref<128x64xf32, #tpu.memory_space<vmem>>)
      %dma_wait3A_809 = arith.constant 0 : i32
      %dma_wait3A_810 = arith.constant 3 : i32
      %dma_wait3A_811 = arith.constant 1 : i32
      %dma_wait3A_812 = arith.constant 3 : i32
      %dma_wait3A_813 = arith.constant 0 : i32
      %dma_wait3A_814 = arith.constant 0 : i32
      %dma_wait3A_815 = tpu.memref_slice %arg6[%dma_wait3A_811, %dma_wait3A_812, %dma_wait3A_813, %dma_wait3A_814] : memref<2x4x128x64xf32, #tpu.memory_space<vmem>> -> memref<1x1x128x64xf32, #tpu.memory_space<vmem>>
      %dma_wait3A_816 = tpu.memref_squeeze %dma_wait3A_815 : memref<1x1x128x64xf32, #tpu.memory_space<vmem>> -> memref<128x64xf32, #tpu.memory_space<vmem>>
      %dma_wait3A_817 = arith.constant 0 : i32
      %dma_wait3A_818 = tpu.memref_slice %arg5[%dma_wait3A_809, %dma_wait3A_810, %dma_wait3A_817] : memref<25x8x128xi32, #tpu.memory_space<vmem>> -> memref<1x1x128xi32, #tpu.memory_space<vmem>>
      %dma_wait3A_819 = tpu.memref_squeeze %dma_wait3A_818 : memref<1x1x128xi32, #tpu.memory_space<vmem>> -> memref<128xi32, #tpu.memory_space<vmem>>
      %dma_wait3A_820 = arith.constant 0 : i32
      %dma_wait3A_821 = arith.constant 0 : i32
      %dma_wait3A_822 = tpu.memref_slice %arg3[%dma_wait3A_820, %dma_wait3A_821] : memref<1000000x64xf32, #tpu.memory_space<hbm>> -> memref<1000000x64xf32, #tpu.memory_space<hbm>>
      tpu.wait_indirect_dma semaphore(%arg8 : memref<!tpu.dma_semaphore, #tpu.memory_space<semaphore_mem>>) src(%dma_wait3A_822 : memref<1000000x64xf32, #tpu.memory_space<hbm>>) dst(%dma_wait3A_816 : memref<128x64xf32, #tpu.memory_space<vmem>>)
      %jit3A_823 = arith.constant 2 : i32
      %div3A_824 = arith.divsi %add3A_592, %jit3A_823 : i32
      %sign3A_825 = arith.constant 0 : i32
      %sign3A_826 = arith.cmpi sgt, %add3A_592, %sign3A_825 : i32
      %sign3A_827 = arith.extui %sign3A_826 : i1 to i32
      %sign3A_828 = arith.constant 0 : i32
      %sign3A_829 = arith.cmpi slt, %add3A_592, %sign3A_828 : i32
      %sign3A_830 = arith.extui %sign3A_829 : i1 to i32
      %sign3A_831 = arith.subi %sign3A_827, %sign3A_830 : i32
      %sign3A_832 = arith.constant 0 : i32
      %sign3A_833 = arith.cmpi sgt, %jit3A_823, %sign3A_832 : i32
      %sign3A_834 = arith.extui %sign3A_833 : i1 to i32
      %sign3A_835 = arith.constant 0 : i32
      %sign3A_836 = arith.cmpi slt, %jit3A_823, %sign3A_835 : i32
      %sign3A_837 = arith.extui %sign3A_836 : i1 to i32
      %sign3A_838 = arith.subi %sign3A_834, %sign3A_837 : i32
      %ne3A_839 = arith.cmpi ne, %sign3A_831, %sign3A_838 : i32
      %rem3A_840 = arith.remsi %add3A_592, %jit3A_823 : i32
      %ne3A_841 = arith.constant 0 : i32
      %ne3A_842 = arith.cmpi ne, %rem3A_840, %ne3A_841 : i32
      %and3A_843 = arith.andi %ne3A_839, %ne3A_842 : i1
      %sub3A_844 = arith.constant 1 : i32
      %sub3A_845 = arith.subi %div3A_824, %sub3A_844 : i32
      %select_n3A_846 = arith.select %and3A_843, %sub3A_845, %div3A_824 : i32
      %add3A_847 = arith.addi %mul3A_2, %select_n3A_846 : i32
      %jit3A_848 = arith.constant 32 : i32
      %div3A_849 = arith.divsi %add3A_847, %jit3A_848 : i32
      %sign3A_850 = arith.constant 0 : i32
      %sign3A_851 = arith.cmpi sgt, %add3A_847, %sign3A_850 : i32
      %sign3A_852 = arith.extui %sign3A_851 : i1 to i32
      %sign3A_853 = arith.constant 0 : i32
      %sign3A_854 = arith.cmpi slt, %add3A_847, %sign3A_853 : i32
      %sign3A_855 = arith.extui %sign3A_854 : i1 to i32
      %sign3A_856 = arith.subi %sign3A_852, %sign3A_855 : i32
      %sign3A_857 = arith.constant 0 : i32
      %sign3A_858 = arith.cmpi sgt, %jit3A_848, %sign3A_857 : i32
      %sign3A_859 = arith.extui %sign3A_858 : i1 to i32
      %sign3A_860 = arith.constant 0 : i32
      %sign3A_861 = arith.cmpi slt, %jit3A_848, %sign3A_860 : i32
      %sign3A_862 = arith.extui %sign3A_861 : i1 to i32
      %sign3A_863 = arith.subi %sign3A_859, %sign3A_862 : i32
      %ne3A_864 = arith.cmpi ne, %sign3A_856, %sign3A_863 : i32
      %rem3A_865 = arith.remsi %add3A_847, %jit3A_848 : i32
      %ne3A_866 = arith.constant 0 : i32
      %ne3A_867 = arith.cmpi ne, %rem3A_865, %ne3A_866 : i32
      %and3A_868 = arith.andi %ne3A_864, %ne3A_867 : i1
      %sub3A_869 = arith.constant 1 : i32
      %sub3A_870 = arith.subi %div3A_849, %sub3A_869 : i32
      %select_n3A_871 = arith.select %and3A_868, %sub3A_870, %div3A_849 : i32
      %mul3A_872 = arith.constant 32 : i32
      %mul3A_873 = arith.muli %select_n3A_871, %mul3A_872 : i32
      %sub3A_874 = arith.subi %add3A_847, %mul3A_873 : i32
      %mul3A_875 = arith.constant 128 : i32
      %mul3A_876 = arith.muli %sub3A_874, %mul3A_875 : i32
      %mul3A_877 = arith.constant 8 : i32
      %mul3A_878 = arith.muli %select_n3A_871, %mul3A_877 : i32
      %jit3A_879 = arith.constant 2 : i32
      %eq3A_880 = arith.constant 0 : i32
      %eq3A_881 = arith.cmpi eq, %jit3A_879, %eq3A_880 : i32
      %jit3A_882 = arith.constant 1 : i32
      %select_n3A_883 = arith.select %eq3A_881, %jit3A_882, %jit3A_879 : i32
      %rem3A_884 = arith.remsi %add3A_592, %select_n3A_883 : i32
      %ne3A_885 = arith.constant 0 : i32
      %ne3A_886 = arith.cmpi ne, %rem3A_884, %ne3A_885 : i32
      %lt3A_887 = arith.constant 0 : i32
      %lt3A_888 = arith.cmpi slt, %rem3A_884, %lt3A_887 : i32
      %lt3A_889 = arith.constant 0 : i32
      %lt3A_890 = arith.cmpi slt, %select_n3A_883, %lt3A_889 : i32
      %ne3A_891 = arith.xori %lt3A_888, %lt3A_890 : i1
      %and3A_892 = arith.andi %ne3A_891, %ne3A_886 : i1
      %add3A_893 = arith.addi %rem3A_884, %select_n3A_883 : i32
      %select_n3A_894 = arith.select %and3A_892, %add3A_893, %rem3A_884 : i32
      %mul3A_895 = arith.constant 4 : i32
      %mul3A_896 = arith.muli %select_n3A_894, %mul3A_895 : i32
      %add3A_897 = arith.addi %mul3A_878, %mul3A_896 : i32
      %add3A_898 = arith.constant 0 : i32
      %add3A_899 = arith.addi %add3A_897, %add3A_898 : i32
      %dma_start3A_900 = arith.constant 1 : i32
      %dma_start3A_901 = arith.constant 0 : i32
      %dma_start3A_902 = arith.constant 0 : i32
      %dma_start3A_903 = arith.constant 0 : i32
      %dma_start3A_904 = tpu.memref_slice %arg6[%dma_start3A_900, %dma_start3A_901, %dma_start3A_902, %dma_start3A_903] : memref<2x4x128x64xf32, #tpu.memory_space<vmem>> -> memref<1x1x128x64xf32, #tpu.memory_space<vmem>>
      %dma_start3A_905 = tpu.memref_squeeze %dma_start3A_904 : memref<1x1x128x64xf32, #tpu.memory_space<vmem>> -> memref<128x64xf32, #tpu.memory_space<vmem>>
      %dma_start3A_906 = arith.constant 0 : i32
      %dma_start3A_907 = tpu.memref_slice %arg4[%mul3A_876, %add3A_899, %dma_start3A_906] : memref<4096x200x128xf32, #tpu.memory_space<hbm>> -> memref<128x1x64xf32, #tpu.memory_space<hbm>>
      %dma_start3A_908 = tpu.memref_squeeze %dma_start3A_907 : memref<128x1x64xf32, #tpu.memory_space<hbm>> -> memref<128x64xf32, #tpu.memory_space<hbm>>
      %dma_start3A_909 = arith.constant 0 : i32
      %dma_start3A_910 = tpu.memref_slice %arg4[%mul3A_876, %add3A_899, %dma_start3A_909] : memref<4096x200x128xf32, #tpu.memory_space<hbm>> -> memref<128x1x64xf32, #tpu.memory_space<hbm>>
      %dma_start3A_911 = tpu.memref_squeeze %dma_start3A_910 : memref<128x1x64xf32, #tpu.memory_space<hbm>> -> memref<128x64xf32, #tpu.memory_space<hbm>>
      %dma_start3A_912 = arith.constant 0 : i32
      %dma_start3A_913 = arith.constant 0 : i32
      %dma_start3A_914 = tpu.memref_slice %arg6[%dma_start3A_900, %dma_start3A_901, %dma_start3A_912, %dma_start3A_913] : memref<2x4x128x64xf32, #tpu.memory_space<vmem>> -> memref<1x1x128x64xf32, #tpu.memory_space<vmem>>
      %dma_start3A_915 = tpu.memref_squeeze %dma_start3A_914 : memref<1x1x128x64xf32, #tpu.memory_space<vmem>> -> memref<128x64xf32, #tpu.memory_space<vmem>>
      tpu.enqueue_dma source(%dma_start3A_915 : memref<128x64xf32, #tpu.memory_space<vmem>>) target(%dma_start3A_911 : memref<128x64xf32, #tpu.memory_space<hbm>>) target_semaphore(%arg10 : memref<!tpu.dma_semaphore, #tpu.memory_space<semaphore_mem>>)
      %add3A_916 = arith.constant 1 : i32
      %add3A_917 = arith.addi %add3A_897, %add3A_916 : i32
      %dma_start3A_918 = arith.constant 1 : i32
      %dma_start3A_919 = arith.constant 1 : i32
      %dma_start3A_920 = arith.constant 0 : i32
      %dma_start3A_921 = arith.constant 0 : i32
      %dma_start3A_922 = tpu.memref_slice %arg6[%dma_start3A_918, %dma_start3A_919, %dma_start3A_920, %dma_start3A_921] : memref<2x4x128x64xf32, #tpu.memory_space<vmem>> -> memref<1x1x128x64xf32, #tpu.memory_space<vmem>>
      %dma_start3A_923 = tpu.memref_squeeze %dma_start3A_922 : memref<1x1x128x64xf32, #tpu.memory_space<vmem>> -> memref<128x64xf32, #tpu.memory_space<vmem>>
      %dma_start3A_924 = arith.constant 0 : i32
      %dma_start3A_925 = tpu.memref_slice %arg4[%mul3A_876, %add3A_917, %dma_start3A_924] : memref<4096x200x128xf32, #tpu.memory_space<hbm>> -> memref<128x1x64xf32, #tpu.memory_space<hbm>>
      %dma_start3A_926 = tpu.memref_squeeze %dma_start3A_925 : memref<128x1x64xf32, #tpu.memory_space<hbm>> -> memref<128x64xf32, #tpu.memory_space<hbm>>
      %dma_start3A_927 = arith.constant 0 : i32
      %dma_start3A_928 = tpu.memref_slice %arg4[%mul3A_876, %add3A_917, %dma_start3A_927] : memref<4096x200x128xf32, #tpu.memory_space<hbm>> -> memref<128x1x64xf32, #tpu.memory_space<hbm>>
      %dma_start3A_929 = tpu.memref_squeeze %dma_start3A_928 : memref<128x1x64xf32, #tpu.memory_space<hbm>> -> memref<128x64xf32, #tpu.memory_space<hbm>>
      %dma_start3A_930 = arith.constant 0 : i32
      %dma_start3A_931 = arith.constant 0 : i32
      %dma_start3A_932 = tpu.memref_slice %arg6[%dma_start3A_918, %dma_start3A_919, %dma_start3A_930, %dma_start3A_931] : memref<2x4x128x64xf32, #tpu.memory_space<vmem>> -> memref<1x1x128x64xf32, #tpu.memory_space<vmem>>
      %dma_start3A_933 = tpu.memref_squeeze %dma_start3A_932 : memref<1x1x128x64xf32, #tpu.memory_space<vmem>> -> memref<128x64xf32, #tpu.memory_space<vmem>>
      tpu.enqueue_dma source(%dma_start3A_933 : memref<128x64xf32, #tpu.memory_space<vmem>>) target(%dma_start3A_929 : memref<128x64xf32, #tpu.memory_space<hbm>>) target_semaphore(%arg10 : memref<!tpu.dma_semaphore, #tpu.memory_space<semaphore_mem>>)
      %add3A_934 = arith.constant 2 : i32
      %add3A_935 = arith.addi %add3A_897, %add3A_934 : i32
      %dma_start3A_936 = arith.constant 1 : i32
      %dma_start3A_937 = arith.constant 2 : i32
      %dma_start3A_938 = arith.constant 0 : i32
      %dma_start3A_939 = arith.constant 0 : i32
      %dma_start3A_940 = tpu.memref_slice %arg6[%dma_start3A_936, %dma_start3A_937, %dma_start3A_938, %dma_start3A_939] : memref<2x4x128x64xf32, #tpu.memory_space<vmem>> -> memref<1x1x128x64xf32, #tpu.memory_space<vmem>>
      %dma_start3A_941 = tpu.memref_squeeze %dma_start3A_940 : memref<1x1x128x64xf32, #tpu.memory_space<vmem>> -> memref<128x64xf32, #tpu.memory_space<vmem>>
      %dma_start3A_942 = arith.constant 0 : i32
      %dma_start3A_943 = tpu.memref_slice %arg4[%mul3A_876, %add3A_935, %dma_start3A_942] : memref<4096x200x128xf32, #tpu.memory_space<hbm>> -> memref<128x1x64xf32, #tpu.memory_space<hbm>>
      %dma_start3A_944 = tpu.memref_squeeze %dma_start3A_943 : memref<128x1x64xf32, #tpu.memory_space<hbm>> -> memref<128x64xf32, #tpu.memory_space<hbm>>
      %dma_start3A_945 = arith.constant 0 : i32
      %dma_start3A_946 = tpu.memref_slice %arg4[%mul3A_876, %add3A_935, %dma_start3A_945] : memref<4096x200x128xf32, #tpu.memory_space<hbm>> -> memref<128x1x64xf32, #tpu.memory_space<hbm>>
      %dma_start3A_947 = tpu.memref_squeeze %dma_start3A_946 : memref<128x1x64xf32, #tpu.memory_space<hbm>> -> memref<128x64xf32, #tpu.memory_space<hbm>>
      %dma_start3A_948 = arith.constant 0 : i32
      %dma_start3A_949 = arith.constant 0 : i32
      %dma_start3A_950 = tpu.memref_slice %arg6[%dma_start3A_936, %dma_start3A_937, %dma_start3A_948, %dma_start3A_949] : memref<2x4x128x64xf32, #tpu.memory_space<vmem>> -> memref<1x1x128x64xf32, #tpu.memory_space<vmem>>
      %dma_start3A_951 = tpu.memref_squeeze %dma_start3A_950 : memref<1x1x128x64xf32, #tpu.memory_space<vmem>> -> memref<128x64xf32, #tpu.memory_space<vmem>>
      tpu.enqueue_dma source(%dma_start3A_951 : memref<128x64xf32, #tpu.memory_space<vmem>>) target(%dma_start3A_947 : memref<128x64xf32, #tpu.memory_space<hbm>>) target_semaphore(%arg10 : memref<!tpu.dma_semaphore, #tpu.memory_space<semaphore_mem>>)
      %add3A_952 = arith.constant 3 : i32
      %add3A_953 = arith.addi %add3A_897, %add3A_952 : i32
      %dma_start3A_954 = arith.constant 1 : i32
      %dma_start3A_955 = arith.constant 3 : i32
      %dma_start3A_956 = arith.constant 0 : i32
      %dma_start3A_957 = arith.constant 0 : i32
      %dma_start3A_958 = tpu.memref_slice %arg6[%dma_start3A_954, %dma_start3A_955, %dma_start3A_956, %dma_start3A_957] : memref<2x4x128x64xf32, #tpu.memory_space<vmem>> -> memref<1x1x128x64xf32, #tpu.memory_space<vmem>>
      %dma_start3A_959 = tpu.memref_squeeze %dma_start3A_958 : memref<1x1x128x64xf32, #tpu.memory_space<vmem>> -> memref<128x64xf32, #tpu.memory_space<vmem>>
      %dma_start3A_960 = arith.constant 0 : i32
      %dma_start3A_961 = tpu.memref_slice %arg4[%mul3A_876, %add3A_953, %dma_start3A_960] : memref<4096x200x128xf32, #tpu.memory_space<hbm>> -> memref<128x1x64xf32, #tpu.memory_space<hbm>>
      %dma_start3A_962 = tpu.memref_squeeze %dma_start3A_961 : memref<128x1x64xf32, #tpu.memory_space<hbm>> -> memref<128x64xf32, #tpu.memory_space<hbm>>
      %dma_start3A_963 = arith.constant 0 : i32
      %dma_start3A_964 = tpu.memref_slice %arg4[%mul3A_876, %add3A_953, %dma_start3A_963] : memref<4096x200x128xf32, #tpu.memory_space<hbm>> -> memref<128x1x64xf32, #tpu.memory_space<hbm>>
      %dma_start3A_965 = tpu.memref_squeeze %dma_start3A_964 : memref<128x1x64xf32, #tpu.memory_space<hbm>> -> memref<128x64xf32, #tpu.memory_space<hbm>>
      %dma_start3A_966 = arith.constant 0 : i32
      %dma_start3A_967 = arith.constant 0 : i32
      %dma_start3A_968 = tpu.memref_slice %arg6[%dma_start3A_954, %dma_start3A_955, %dma_start3A_966, %dma_start3A_967] : memref<2x4x128x64xf32, #tpu.memory_space<vmem>> -> memref<1x1x128x64xf32, #tpu.memory_space<vmem>>
      %dma_start3A_969 = tpu.memref_squeeze %dma_start3A_968 : memref<1x1x128x64xf32, #tpu.memory_space<vmem>> -> memref<128x64xf32, #tpu.memory_space<vmem>>
      tpu.enqueue_dma source(%dma_start3A_969 : memref<128x64xf32, #tpu.memory_space<vmem>>) target(%dma_start3A_965 : memref<128x64xf32, #tpu.memory_space<hbm>>) target_semaphore(%arg10 : memref<!tpu.dma_semaphore, #tpu.memory_space<semaphore_mem>>)
      %add3A_970 = arith.constant 1 : i32
      %add3A_971 = arith.addi %add3A_592, %add3A_970 : i32
      %dma_wait3A_972 = arith.constant 1 : i32
      %dma_wait3A_973 = arith.constant 0 : i32
      %dma_wait3A_974 = arith.constant 0 : i32
      %dma_wait3A_975 = arith.constant 0 : i32
      %dma_wait3A_976 = arith.constant 0 : i32
      %dma_wait3A_977 = tpu.memref_slice %arg6[%dma_wait3A_972, %dma_wait3A_973, %dma_wait3A_975, %dma_wait3A_976] : memref<2x4x128x64xf32, #tpu.memory_space<vmem>> -> memref<1x1x128x64xf32, #tpu.memory_space<vmem>>
      %dma_wait3A_978 = tpu.memref_squeeze %dma_wait3A_977 : memref<1x1x128x64xf32, #tpu.memory_space<vmem>> -> memref<128x64xf32, #tpu.memory_space<vmem>>
      %dma_wait3A_979 = arith.constant 0 : i32
      %dma_wait3A_980 = arith.constant 0 : i32
      %dma_wait3A_981 = tpu.memref_slice %arg4[%dma_wait3A_979, %dma_wait3A_974, %dma_wait3A_980] : memref<4096x200x128xf32, #tpu.memory_space<hbm>> -> memref<128x1x64xf32, #tpu.memory_space<hbm>>
      %dma_wait3A_982 = tpu.memref_squeeze %dma_wait3A_981 : memref<128x1x64xf32, #tpu.memory_space<hbm>> -> memref<128x64xf32, #tpu.memory_space<hbm>>
      %dma_wait3A_983 = arith.constant 0 : i32
      %dma_wait3A_984 = arith.constant 0 : i32
      %dma_wait3A_985 = tpu.memref_slice %arg4[%dma_wait3A_983, %dma_wait3A_974, %dma_wait3A_984] : memref<4096x200x128xf32, #tpu.memory_space<hbm>> -> memref<128x1x64xf32, #tpu.memory_space<hbm>>
      %dma_wait3A_986 = tpu.memref_squeeze %dma_wait3A_985 : memref<128x1x64xf32, #tpu.memory_space<hbm>> -> memref<128x64xf32, #tpu.memory_space<hbm>>
      %dma_wait3A_987 = arith.constant 0 : i32
      %dma_wait3A_988 = arith.constant 0 : i32
      %dma_wait3A_989 = tpu.memref_slice %arg6[%dma_wait3A_972, %dma_wait3A_973, %dma_wait3A_987, %dma_wait3A_988] : memref<2x4x128x64xf32, #tpu.memory_space<vmem>> -> memref<1x1x128x64xf32, #tpu.memory_space<vmem>>
      %dma_wait3A_990 = tpu.memref_squeeze %dma_wait3A_989 : memref<1x1x128x64xf32, #tpu.memory_space<vmem>> -> memref<128x64xf32, #tpu.memory_space<vmem>>
      tpu.wait_dma2 semaphore(%arg10 : memref<!tpu.dma_semaphore, #tpu.memory_space<semaphore_mem>>) src(%dma_wait3A_990 : memref<128x64xf32, #tpu.memory_space<vmem>>) dst(%dma_wait3A_986 : memref<128x64xf32, #tpu.memory_space<hbm>>)
      %dma_wait3A_991 = arith.constant 1 : i32
      %dma_wait3A_992 = arith.constant 1 : i32
      %dma_wait3A_993 = arith.constant 0 : i32
      %dma_wait3A_994 = arith.constant 0 : i32
      %dma_wait3A_995 = arith.constant 0 : i32
      %dma_wait3A_996 = tpu.memref_slice %arg6[%dma_wait3A_991, %dma_wait3A_992, %dma_wait3A_994, %dma_wait3A_995] : memref<2x4x128x64xf32, #tpu.memory_space<vmem>> -> memref<1x1x128x64xf32, #tpu.memory_space<vmem>>
      %dma_wait3A_997 = tpu.memref_squeeze %dma_wait3A_996 : memref<1x1x128x64xf32, #tpu.memory_space<vmem>> -> memref<128x64xf32, #tpu.memory_space<vmem>>
      %dma_wait3A_998 = arith.constant 0 : i32
      %dma_wait3A_999 = arith.constant 0 : i32
      %dma_wait3A_1000 = tpu.memref_slice %arg4[%dma_wait3A_998, %dma_wait3A_993, %dma_wait3A_999] : memref<4096x200x128xf32, #tpu.memory_space<hbm>> -> memref<128x1x64xf32, #tpu.memory_space<hbm>>
      %dma_wait3A_1001 = tpu.memref_squeeze %dma_wait3A_1000 : memref<128x1x64xf32, #tpu.memory_space<hbm>> -> memref<128x64xf32, #tpu.memory_space<hbm>>
      %dma_wait3A_1002 = arith.constant 0 : i32
      %dma_wait3A_1003 = arith.constant 0 : i32
      %dma_wait3A_1004 = tpu.memref_slice %arg4[%dma_wait3A_1002, %dma_wait3A_993, %dma_wait3A_1003] : memref<4096x200x128xf32, #tpu.memory_space<hbm>> -> memref<128x1x64xf32, #tpu.memory_space<hbm>>
      %dma_wait3A_1005 = tpu.memref_squeeze %dma_wait3A_1004 : memref<128x1x64xf32, #tpu.memory_space<hbm>> -> memref<128x64xf32, #tpu.memory_space<hbm>>
      %dma_wait3A_1006 = arith.constant 0 : i32
      %dma_wait3A_1007 = arith.constant 0 : i32
      %dma_wait3A_1008 = tpu.memref_slice %arg6[%dma_wait3A_991, %dma_wait3A_992, %dma_wait3A_1006, %dma_wait3A_1007] : memref<2x4x128x64xf32, #tpu.memory_space<vmem>> -> memref<1x1x128x64xf32, #tpu.memory_space<vmem>>
      %dma_wait3A_1009 = tpu.memref_squeeze %dma_wait3A_1008 : memref<1x1x128x64xf32, #tpu.memory_space<vmem>> -> memref<128x64xf32, #tpu.memory_space<vmem>>
      tpu.wait_dma2 semaphore(%arg10 : memref<!tpu.dma_semaphore, #tpu.memory_space<semaphore_mem>>) src(%dma_wait3A_1009 : memref<128x64xf32, #tpu.memory_space<vmem>>) dst(%dma_wait3A_1005 : memref<128x64xf32, #tpu.memory_space<hbm>>)
      %dma_wait3A_1010 = arith.constant 1 : i32
      %dma_wait3A_1011 = arith.constant 2 : i32
      %dma_wait3A_1012 = arith.constant 0 : i32
      %dma_wait3A_1013 = arith.constant 0 : i32
      %dma_wait3A_1014 = arith.constant 0 : i32
      %dma_wait3A_1015 = tpu.memref_slice %arg6[%dma_wait3A_1010, %dma_wait3A_1011, %dma_wait3A_1013, %dma_wait3A_1014] : memref<2x4x128x64xf32, #tpu.memory_space<vmem>> -> memref<1x1x128x64xf32, #tpu.memory_space<vmem>>
      %dma_wait3A_1016 = tpu.memref_squeeze %dma_wait3A_1015 : memref<1x1x128x64xf32, #tpu.memory_space<vmem>> -> memref<128x64xf32, #tpu.memory_space<vmem>>
      %dma_wait3A_1017 = arith.constant 0 : i32
      %dma_wait3A_1018 = arith.constant 0 : i32
      %dma_wait3A_1019 = tpu.memref_slice %arg4[%dma_wait3A_1017, %dma_wait3A_1012, %dma_wait3A_1018] : memref<4096x200x128xf32, #tpu.memory_space<hbm>> -> memref<128x1x64xf32, #tpu.memory_space<hbm>>
      %dma_wait3A_1020 = tpu.memref_squeeze %dma_wait3A_1019 : memref<128x1x64xf32, #tpu.memory_space<hbm>> -> memref<128x64xf32, #tpu.memory_space<hbm>>
      %dma_wait3A_1021 = arith.constant 0 : i32
      %dma_wait3A_1022 = arith.constant 0 : i32
      %dma_wait3A_1023 = tpu.memref_slice %arg4[%dma_wait3A_1021, %dma_wait3A_1012, %dma_wait3A_1022] : memref<4096x200x128xf32, #tpu.memory_space<hbm>> -> memref<128x1x64xf32, #tpu.memory_space<hbm>>
      %dma_wait3A_1024 = tpu.memref_squeeze %dma_wait3A_1023 : memref<128x1x64xf32, #tpu.memory_space<hbm>> -> memref<128x64xf32, #tpu.memory_space<hbm>>
      %dma_wait3A_1025 = arith.constant 0 : i32
      %dma_wait3A_1026 = arith.constant 0 : i32
      %dma_wait3A_1027 = tpu.memref_slice %arg6[%dma_wait3A_1010, %dma_wait3A_1011, %dma_wait3A_1025, %dma_wait3A_1026] : memref<2x4x128x64xf32, #tpu.memory_space<vmem>> -> memref<1x1x128x64xf32, #tpu.memory_space<vmem>>
      %dma_wait3A_1028 = tpu.memref_squeeze %dma_wait3A_1027 : memref<1x1x128x64xf32, #tpu.memory_space<vmem>> -> memref<128x64xf32, #tpu.memory_space<vmem>>
      tpu.wait_dma2 semaphore(%arg10 : memref<!tpu.dma_semaphore, #tpu.memory_space<semaphore_mem>>) src(%dma_wait3A_1028 : memref<128x64xf32, #tpu.memory_space<vmem>>) dst(%dma_wait3A_1024 : memref<128x64xf32, #tpu.memory_space<hbm>>)
      %dma_wait3A_1029 = arith.constant 1 : i32
      %dma_wait3A_1030 = arith.constant 3 : i32
      %dma_wait3A_1031 = arith.constant 0 : i32
      %dma_wait3A_1032 = arith.constant 0 : i32
      %dma_wait3A_1033 = arith.constant 0 : i32
      %dma_wait3A_1034 = tpu.memref_slice %arg6[%dma_wait3A_1029, %dma_wait3A_1030, %dma_wait3A_1032, %dma_wait3A_1033] : memref<2x4x128x64xf32, #tpu.memory_space<vmem>> -> memref<1x1x128x64xf32, #tpu.memory_space<vmem>>
      %dma_wait3A_1035 = tpu.memref_squeeze %dma_wait3A_1034 : memref<1x1x128x64xf32, #tpu.memory_space<vmem>> -> memref<128x64xf32, #tpu.memory_space<vmem>>
      %dma_wait3A_1036 = arith.constant 0 : i32
      %dma_wait3A_1037 = arith.constant 0 : i32
      %dma_wait3A_1038 = tpu.memref_slice %arg4[%dma_wait3A_1036, %dma_wait3A_1031, %dma_wait3A_1037] : memref<4096x200x128xf32, #tpu.memory_space<hbm>> -> memref<128x1x64xf32, #tpu.memory_space<hbm>>
      %dma_wait3A_1039 = tpu.memref_squeeze %dma_wait3A_1038 : memref<128x1x64xf32, #tpu.memory_space<hbm>> -> memref<128x64xf32, #tpu.memory_space<hbm>>
      %dma_wait3A_1040 = arith.constant 0 : i32
      %dma_wait3A_1041 = arith.constant 0 : i32
      %dma_wait3A_1042 = tpu.memref_slice %arg4[%dma_wait3A_1040, %dma_wait3A_1031, %dma_wait3A_1041] : memref<4096x200x128xf32, #tpu.memory_space<hbm>> -> memref<128x1x64xf32, #tpu.memory_space<hbm>>
      %dma_wait3A_1043 = tpu.memref_squeeze %dma_wait3A_1042 : memref<128x1x64xf32, #tpu.memory_space<hbm>> -> memref<128x64xf32, #tpu.memory_space<hbm>>
      %dma_wait3A_1044 = arith.constant 0 : i32
      %dma_wait3A_1045 = arith.constant 0 : i32
      %dma_wait3A_1046 = tpu.memref_slice %arg6[%dma_wait3A_1029, %dma_wait3A_1030, %dma_wait3A_1044, %dma_wait3A_1045] : memref<2x4x128x64xf32, #tpu.memory_space<vmem>> -> memref<1x1x128x64xf32, #tpu.memory_space<vmem>>
      %dma_wait3A_1047 = tpu.memref_squeeze %dma_wait3A_1046 : memref<1x1x128x64xf32, #tpu.memory_space<vmem>> -> memref<128x64xf32, #tpu.memory_space<vmem>>
      tpu.wait_dma2 semaphore(%arg10 : memref<!tpu.dma_semaphore, #tpu.memory_space<semaphore_mem>>) src(%dma_wait3A_1047 : memref<128x64xf32, #tpu.memory_space<vmem>>) dst(%dma_wait3A_1043 : memref<128x64xf32, #tpu.memory_space<hbm>>)
      %add3A_1048 = arith.constant 1 : i32
      %add3A_1049 = arith.addi %add3A_971, %add3A_1048 : i32
      %jit3A_1050 = arith.constant 2 : i32
      %div3A_1051 = arith.divsi %add3A_1049, %jit3A_1050 : i32
      %sign3A_1052 = arith.constant 0 : i32
      %sign3A_1053 = arith.cmpi sgt, %add3A_1049, %sign3A_1052 : i32
      %sign3A_1054 = arith.extui %sign3A_1053 : i1 to i32
      %sign3A_1055 = arith.constant 0 : i32
      %sign3A_1056 = arith.cmpi slt, %add3A_1049, %sign3A_1055 : i32
      %sign3A_1057 = arith.extui %sign3A_1056 : i1 to i32
      %sign3A_1058 = arith.subi %sign3A_1054, %sign3A_1057 : i32
      %sign3A_1059 = arith.constant 0 : i32
      %sign3A_1060 = arith.cmpi sgt, %jit3A_1050, %sign3A_1059 : i32
      %sign3A_1061 = arith.extui %sign3A_1060 : i1 to i32
      %sign3A_1062 = arith.constant 0 : i32
      %sign3A_1063 = arith.cmpi slt, %jit3A_1050, %sign3A_1062 : i32
      %sign3A_1064 = arith.extui %sign3A_1063 : i1 to i32
      %sign3A_1065 = arith.subi %sign3A_1061, %sign3A_1064 : i32
      %ne3A_1066 = arith.cmpi ne, %sign3A_1058, %sign3A_1065 : i32
      %rem3A_1067 = arith.remsi %add3A_1049, %jit3A_1050 : i32
      %ne3A_1068 = arith.constant 0 : i32
      %ne3A_1069 = arith.cmpi ne, %rem3A_1067, %ne3A_1068 : i32
      %and3A_1070 = arith.andi %ne3A_1066, %ne3A_1069 : i1
      %sub3A_1071 = arith.constant 1 : i32
      %sub3A_1072 = arith.subi %div3A_1051, %sub3A_1071 : i32
      %select_n3A_1073 = arith.select %and3A_1070, %sub3A_1072, %div3A_1051 : i32
      %jit3A_1074 = arith.constant 2 : i32
      %eq3A_1075 = arith.constant 0 : i32
      %eq3A_1076 = arith.cmpi eq, %jit3A_1074, %eq3A_1075 : i32
      %jit3A_1077 = arith.constant 1 : i32
      %select_n3A_1078 = arith.select %eq3A_1076, %jit3A_1077, %jit3A_1074 : i32
      %rem3A_1079 = arith.remsi %add3A_1049, %select_n3A_1078 : i32
      %ne3A_1080 = arith.constant 0 : i32
      %ne3A_1081 = arith.cmpi ne, %rem3A_1079, %ne3A_1080 : i32
      %lt3A_1082 = arith.constant 0 : i32
      %lt3A_1083 = arith.cmpi slt, %rem3A_1079, %lt3A_1082 : i32
      %lt3A_1084 = arith.constant 0 : i32
      %lt3A_1085 = arith.cmpi slt, %select_n3A_1078, %lt3A_1084 : i32
      %ne3A_1086 = arith.xori %lt3A_1083, %lt3A_1085 : i1
      %and3A_1087 = arith.andi %ne3A_1086, %ne3A_1081 : i1
      %add3A_1088 = arith.addi %rem3A_1079, %select_n3A_1078 : i32
      %select_n3A_1089 = arith.select %and3A_1087, %add3A_1088, %rem3A_1079 : i32
      %mul3A_1090 = arith.constant 4 : i32
      %mul3A_1091 = arith.muli %select_n3A_1089, %mul3A_1090 : i32
      %add3A_1092 = arith.constant 0 : i32
      %add3A_1093 = arith.addi %mul3A_1091, %add3A_1092 : i32
      %dma_start3A_1094 = arith.constant 1 : i32
      %dma_start3A_1095 = arith.constant 0 : i32
      %dma_start3A_1096 = arith.constant 0 : i32
      %dma_start3A_1097 = arith.constant 0 : i32
      %dma_start3A_1098 = tpu.memref_slice %arg6[%dma_start3A_1094, %dma_start3A_1095, %dma_start3A_1096, %dma_start3A_1097] : memref<2x4x128x64xf32, #tpu.memory_space<vmem>> -> memref<1x1x128x64xf32, #tpu.memory_space<vmem>>
      %dma_start3A_1099 = tpu.memref_squeeze %dma_start3A_1098 : memref<1x1x128x64xf32, #tpu.memory_space<vmem>> -> memref<128x64xf32, #tpu.memory_space<vmem>>
      %dma_start3A_1100 = arith.constant 0 : i32
      %dma_start3A_1101 = tpu.memref_slice %arg5[%select_n3A_1073, %add3A_1093, %dma_start3A_1100] : memref<25x8x128xi32, #tpu.memory_space<vmem>> -> memref<1x1x128xi32, #tpu.memory_space<vmem>>
      %dma_start3A_1102 = tpu.memref_squeeze %dma_start3A_1101 : memref<1x1x128xi32, #tpu.memory_space<vmem>> -> memref<128xi32, #tpu.memory_space<vmem>>
      %dma_start3A_1103 = arith.constant 0 : i32
      %dma_start3A_1104 = arith.constant 0 : i32
      %dma_start3A_1105 = tpu.memref_slice %arg3[%dma_start3A_1103, %dma_start3A_1104] : memref<1000000x64xf32, #tpu.memory_space<hbm>> -> memref<1000000x64xf32, #tpu.memory_space<hbm>>
      tpu.enqueue_indirect_dma source(%dma_start3A_1105 : memref<1000000x64xf32, #tpu.memory_space<hbm>>) target(%dma_start3A_1099 : memref<128x64xf32, #tpu.memory_space<vmem>>) offsets(%dma_start3A_1102 : memref<128xi32, #tpu.memory_space<vmem>>) semaphore(%arg8 : memref<!tpu.dma_semaphore, #tpu.memory_space<semaphore_mem>>)
      %add3A_1106 = arith.constant 1 : i32
      %add3A_1107 = arith.addi %mul3A_1091, %add3A_1106 : i32
      %dma_start3A_1108 = arith.constant 1 : i32
      %dma_start3A_1109 = arith.constant 1 : i32
      %dma_start3A_1110 = arith.constant 0 : i32
      %dma_start3A_1111 = arith.constant 0 : i32
      %dma_start3A_1112 = tpu.memref_slice %arg6[%dma_start3A_1108, %dma_start3A_1109, %dma_start3A_1110, %dma_start3A_1111] : memref<2x4x128x64xf32, #tpu.memory_space<vmem>> -> memref<1x1x128x64xf32, #tpu.memory_space<vmem>>
      %dma_start3A_1113 = tpu.memref_squeeze %dma_start3A_1112 : memref<1x1x128x64xf32, #tpu.memory_space<vmem>> -> memref<128x64xf32, #tpu.memory_space<vmem>>
      %dma_start3A_1114 = arith.constant 0 : i32
      %dma_start3A_1115 = tpu.memref_slice %arg5[%select_n3A_1073, %add3A_1107, %dma_start3A_1114] : memref<25x8x128xi32, #tpu.memory_space<vmem>> -> memref<1x1x128xi32, #tpu.memory_space<vmem>>
      %dma_start3A_1116 = tpu.memref_squeeze %dma_start3A_1115 : memref<1x1x128xi32, #tpu.memory_space<vmem>> -> memref<128xi32, #tpu.memory_space<vmem>>
      %dma_start3A_1117 = arith.constant 0 : i32
      %dma_start3A_1118 = arith.constant 0 : i32
      %dma_start3A_1119 = tpu.memref_slice %arg3[%dma_start3A_1117, %dma_start3A_1118] : memref<1000000x64xf32, #tpu.memory_space<hbm>> -> memref<1000000x64xf32, #tpu.memory_space<hbm>>
      tpu.enqueue_indirect_dma source(%dma_start3A_1119 : memref<1000000x64xf32, #tpu.memory_space<hbm>>) target(%dma_start3A_1113 : memref<128x64xf32, #tpu.memory_space<vmem>>) offsets(%dma_start3A_1116 : memref<128xi32, #tpu.memory_space<vmem>>) semaphore(%arg8 : memref<!tpu.dma_semaphore, #tpu.memory_space<semaphore_mem>>)
      %add3A_1120 = arith.constant 2 : i32
      %add3A_1121 = arith.addi %mul3A_1091, %add3A_1120 : i32
      %dma_start3A_1122 = arith.constant 1 : i32
      %dma_start3A_1123 = arith.constant 2 : i32
      %dma_start3A_1124 = arith.constant 0 : i32
      %dma_start3A_1125 = arith.constant 0 : i32
      %dma_start3A_1126 = tpu.memref_slice %arg6[%dma_start3A_1122, %dma_start3A_1123, %dma_start3A_1124, %dma_start3A_1125] : memref<2x4x128x64xf32, #tpu.memory_space<vmem>> -> memref<1x1x128x64xf32, #tpu.memory_space<vmem>>
      %dma_start3A_1127 = tpu.memref_squeeze %dma_start3A_1126 : memref<1x1x128x64xf32, #tpu.memory_space<vmem>> -> memref<128x64xf32, #tpu.memory_space<vmem>>
      %dma_start3A_1128 = arith.constant 0 : i32
      %dma_start3A_1129 = tpu.memref_slice %arg5[%select_n3A_1073, %add3A_1121, %dma_start3A_1128] : memref<25x8x128xi32, #tpu.memory_space<vmem>> -> memref<1x1x128xi32, #tpu.memory_space<vmem>>
      %dma_start3A_1130 = tpu.memref_squeeze %dma_start3A_1129 : memref<1x1x128xi32, #tpu.memory_space<vmem>> -> memref<128xi32, #tpu.memory_space<vmem>>
      %dma_start3A_1131 = arith.constant 0 : i32
      %dma_start3A_1132 = arith.constant 0 : i32
      %dma_start3A_1133 = tpu.memref_slice %arg3[%dma_start3A_1131, %dma_start3A_1132] : memref<1000000x64xf32, #tpu.memory_space<hbm>> -> memref<1000000x64xf32, #tpu.memory_space<hbm>>
      tpu.enqueue_indirect_dma source(%dma_start3A_1133 : memref<1000000x64xf32, #tpu.memory_space<hbm>>) target(%dma_start3A_1127 : memref<128x64xf32, #tpu.memory_space<vmem>>) offsets(%dma_start3A_1130 : memref<128xi32, #tpu.memory_space<vmem>>) semaphore(%arg8 : memref<!tpu.dma_semaphore, #tpu.memory_space<semaphore_mem>>)
      %add3A_1134 = arith.constant 3 : i32
      %add3A_1135 = arith.addi %mul3A_1091, %add3A_1134 : i32
      %dma_start3A_1136 = arith.constant 1 : i32
      %dma_start3A_1137 = arith.constant 3 : i32
      %dma_start3A_1138 = arith.constant 0 : i32
      %dma_start3A_1139 = arith.constant 0 : i32
      %dma_start3A_1140 = tpu.memref_slice %arg6[%dma_start3A_1136, %dma_start3A_1137, %dma_start3A_1138, %dma_start3A_1139] : memref<2x4x128x64xf32, #tpu.memory_space<vmem>> -> memref<1x1x128x64xf32, #tpu.memory_space<vmem>>
      %dma_start3A_1141 = tpu.memref_squeeze %dma_start3A_1140 : memref<1x1x128x64xf32, #tpu.memory_space<vmem>> -> memref<128x64xf32, #tpu.memory_space<vmem>>
      %dma_start3A_1142 = arith.constant 0 : i32
      %dma_start3A_1143 = tpu.memref_slice %arg5[%select_n3A_1073, %add3A_1135, %dma_start3A_1142] : memref<25x8x128xi32, #tpu.memory_space<vmem>> -> memref<1x1x128xi32, #tpu.memory_space<vmem>>
      %dma_start3A_1144 = tpu.memref_squeeze %dma_start3A_1143 : memref<1x1x128xi32, #tpu.memory_space<vmem>> -> memref<128xi32, #tpu.memory_space<vmem>>
      %dma_start3A_1145 = arith.constant 0 : i32
      %dma_start3A_1146 = arith.constant 0 : i32
      %dma_start3A_1147 = tpu.memref_slice %arg3[%dma_start3A_1145, %dma_start3A_1146] : memref<1000000x64xf32, #tpu.memory_space<hbm>> -> memref<1000000x64xf32, #tpu.memory_space<hbm>>
      tpu.enqueue_indirect_dma source(%dma_start3A_1147 : memref<1000000x64xf32, #tpu.memory_space<hbm>>) target(%dma_start3A_1141 : memref<128x64xf32, #tpu.memory_space<vmem>>) offsets(%dma_start3A_1144 : memref<128xi32, #tpu.memory_space<vmem>>) semaphore(%arg8 : memref<!tpu.dma_semaphore, #tpu.memory_space<semaphore_mem>>)
      %dma_wait3A_1148 = arith.constant 0 : i32
      %dma_wait3A_1149 = arith.constant 0 : i32
      %dma_wait3A_1150 = arith.constant 0 : i32
      %dma_wait3A_1151 = arith.constant 0 : i32
      %dma_wait3A_1152 = arith.constant 0 : i32
      %dma_wait3A_1153 = arith.constant 0 : i32
      %dma_wait3A_1154 = tpu.memref_slice %arg6[%dma_wait3A_1150, %dma_wait3A_1151, %dma_wait3A_1152, %dma_wait3A_1153] : memref<2x4x128x64xf32, #tpu.memory_space<vmem>> -> memref<1x1x128x64xf32, #tpu.memory_space<vmem>>
      %dma_wait3A_1155 = tpu.memref_squeeze %dma_wait3A_1154 : memref<1x1x128x64xf32, #tpu.memory_space<vmem>> -> memref<128x64xf32, #tpu.memory_space<vmem>>
      %dma_wait3A_1156 = arith.constant 0 : i32
      %dma_wait3A_1157 = tpu.memref_slice %arg5[%dma_wait3A_1148, %dma_wait3A_1149, %dma_wait3A_1156] : memref<25x8x128xi32, #tpu.memory_space<vmem>> -> memref<1x1x128xi32, #tpu.memory_space<vmem>>
      %dma_wait3A_1158 = tpu.memref_squeeze %dma_wait3A_1157 : memref<1x1x128xi32, #tpu.memory_space<vmem>> -> memref<128xi32, #tpu.memory_space<vmem>>
      %dma_wait3A_1159 = arith.constant 0 : i32
      %dma_wait3A_1160 = arith.constant 0 : i32
      %dma_wait3A_1161 = tpu.memref_slice %arg3[%dma_wait3A_1159, %dma_wait3A_1160] : memref<1000000x64xf32, #tpu.memory_space<hbm>> -> memref<1000000x64xf32, #tpu.memory_space<hbm>>
      tpu.wait_indirect_dma semaphore(%arg7 : memref<!tpu.dma_semaphore, #tpu.memory_space<semaphore_mem>>) src(%dma_wait3A_1161 : memref<1000000x64xf32, #tpu.memory_space<hbm>>) dst(%dma_wait3A_1155 : memref<128x64xf32, #tpu.memory_space<vmem>>)
      %dma_wait3A_1162 = arith.constant 0 : i32
      %dma_wait3A_1163 = arith.constant 1 : i32
      %dma_wait3A_1164 = arith.constant 0 : i32
      %dma_wait3A_1165 = arith.constant 1 : i32
      %dma_wait3A_1166 = arith.constant 0 : i32
      %dma_wait3A_1167 = arith.constant 0 : i32
      %dma_wait3A_1168 = tpu.memref_slice %arg6[%dma_wait3A_1164, %dma_wait3A_1165, %dma_wait3A_1166, %dma_wait3A_1167] : memref<2x4x128x64xf32, #tpu.memory_space<vmem>> -> memref<1x1x128x64xf32, #tpu.memory_space<vmem>>
      %dma_wait3A_1169 = tpu.memref_squeeze %dma_wait3A_1168 : memref<1x1x128x64xf32, #tpu.memory_space<vmem>> -> memref<128x64xf32, #tpu.memory_space<vmem>>
      %dma_wait3A_1170 = arith.constant 0 : i32
      %dma_wait3A_1171 = tpu.memref_slice %arg5[%dma_wait3A_1162, %dma_wait3A_1163, %dma_wait3A_1170] : memref<25x8x128xi32, #tpu.memory_space<vmem>> -> memref<1x1x128xi32, #tpu.memory_space<vmem>>
      %dma_wait3A_1172 = tpu.memref_squeeze %dma_wait3A_1171 : memref<1x1x128xi32, #tpu.memory_space<vmem>> -> memref<128xi32, #tpu.memory_space<vmem>>
      %dma_wait3A_1173 = arith.constant 0 : i32
      %dma_wait3A_1174 = arith.constant 0 : i32
      %dma_wait3A_1175 = tpu.memref_slice %arg3[%dma_wait3A_1173, %dma_wait3A_1174] : memref<1000000x64xf32, #tpu.memory_space<hbm>> -> memref<1000000x64xf32, #tpu.memory_space<hbm>>
      tpu.wait_indirect_dma semaphore(%arg7 : memref<!tpu.dma_semaphore, #tpu.memory_space<semaphore_mem>>) src(%dma_wait3A_1175 : memref<1000000x64xf32, #tpu.memory_space<hbm>>) dst(%dma_wait3A_1169 : memref<128x64xf32, #tpu.memory_space<vmem>>)
      %dma_wait3A_1176 = arith.constant 0 : i32
      %dma_wait3A_1177 = arith.constant 2 : i32
      %dma_wait3A_1178 = arith.constant 0 : i32
      %dma_wait3A_1179 = arith.constant 2 : i32
      %dma_wait3A_1180 = arith.constant 0 : i32
      %dma_wait3A_1181 = arith.constant 0 : i32
      %dma_wait3A_1182 = tpu.memref_slice %arg6[%dma_wait3A_1178, %dma_wait3A_1179, %dma_wait3A_1180, %dma_wait3A_1181] : memref<2x4x128x64xf32, #tpu.memory_space<vmem>> -> memref<1x1x128x64xf32, #tpu.memory_space<vmem>>
      %dma_wait3A_1183 = tpu.memref_squeeze %dma_wait3A_1182 : memref<1x1x128x64xf32, #tpu.memory_space<vmem>> -> memref<128x64xf32, #tpu.memory_space<vmem>>
      %dma_wait3A_1184 = arith.constant 0 : i32
      %dma_wait3A_1185 = tpu.memref_slice %arg5[%dma_wait3A_1176, %dma_wait3A_1177, %dma_wait3A_1184] : memref<25x8x128xi32, #tpu.memory_space<vmem>> -> memref<1x1x128xi32, #tpu.memory_space<vmem>>
      %dma_wait3A_1186 = tpu.memref_squeeze %dma_wait3A_1185 : memref<1x1x128xi32, #tpu.memory_space<vmem>> -> memref<128xi32, #tpu.memory_space<vmem>>
      %dma_wait3A_1187 = arith.constant 0 : i32
      %dma_wait3A_1188 = arith.constant 0 : i32
      %dma_wait3A_1189 = tpu.memref_slice %arg3[%dma_wait3A_1187, %dma_wait3A_1188] : memref<1000000x64xf32, #tpu.memory_space<hbm>> -> memref<1000000x64xf32, #tpu.memory_space<hbm>>
      tpu.wait_indirect_dma semaphore(%arg7 : memref<!tpu.dma_semaphore, #tpu.memory_space<semaphore_mem>>) src(%dma_wait3A_1189 : memref<1000000x64xf32, #tpu.memory_space<hbm>>) dst(%dma_wait3A_1183 : memref<128x64xf32, #tpu.memory_space<vmem>>)
      %dma_wait3A_1190 = arith.constant 0 : i32
      %dma_wait3A_1191 = arith.constant 3 : i32
      %dma_wait3A_1192 = arith.constant 0 : i32
      %dma_wait3A_1193 = arith.constant 3 : i32
      %dma_wait3A_1194 = arith.constant 0 : i32
      %dma_wait3A_1195 = arith.constant 0 : i32
      %dma_wait3A_1196 = tpu.memref_slice %arg6[%dma_wait3A_1192, %dma_wait3A_1193, %dma_wait3A_1194, %dma_wait3A_1195] : memref<2x4x128x64xf32, #tpu.memory_space<vmem>> -> memref<1x1x128x64xf32, #tpu.memory_space<vmem>>
      %dma_wait3A_1197 = tpu.memref_squeeze %dma_wait3A_1196 : memref<1x1x128x64xf32, #tpu.memory_space<vmem>> -> memref<128x64xf32, #tpu.memory_space<vmem>>
      %dma_wait3A_1198 = arith.constant 0 : i32
      %dma_wait3A_1199 = tpu.memref_slice %arg5[%dma_wait3A_1190, %dma_wait3A_1191, %dma_wait3A_1198] : memref<25x8x128xi32, #tpu.memory_space<vmem>> -> memref<1x1x128xi32, #tpu.memory_space<vmem>>
      %dma_wait3A_1200 = tpu.memref_squeeze %dma_wait3A_1199 : memref<1x1x128xi32, #tpu.memory_space<vmem>> -> memref<128xi32, #tpu.memory_space<vmem>>
      %dma_wait3A_1201 = arith.constant 0 : i32
      %dma_wait3A_1202 = arith.constant 0 : i32
      %dma_wait3A_1203 = tpu.memref_slice %arg3[%dma_wait3A_1201, %dma_wait3A_1202] : memref<1000000x64xf32, #tpu.memory_space<hbm>> -> memref<1000000x64xf32, #tpu.memory_space<hbm>>
      tpu.wait_indirect_dma semaphore(%arg7 : memref<!tpu.dma_semaphore, #tpu.memory_space<semaphore_mem>>) src(%dma_wait3A_1203 : memref<1000000x64xf32, #tpu.memory_space<hbm>>) dst(%dma_wait3A_1197 : memref<128x64xf32, #tpu.memory_space<vmem>>)
      %jit3A_1204 = arith.constant 2 : i32
      %div3A_1205 = arith.divsi %add3A_971, %jit3A_1204 : i32
      %sign3A_1206 = arith.constant 0 : i32
      %sign3A_1207 = arith.cmpi sgt, %add3A_971, %sign3A_1206 : i32
      %sign3A_1208 = arith.extui %sign3A_1207 : i1 to i32
      %sign3A_1209 = arith.constant 0 : i32
      %sign3A_1210 = arith.cmpi slt, %add3A_971, %sign3A_1209 : i32
      %sign3A_1211 = arith.extui %sign3A_1210 : i1 to i32
      %sign3A_1212 = arith.subi %sign3A_1208, %sign3A_1211 : i32
      %sign3A_1213 = arith.constant 0 : i32
      %sign3A_1214 = arith.cmpi sgt, %jit3A_1204, %sign3A_1213 : i32
      %sign3A_1215 = arith.extui %sign3A_1214 : i1 to i32
      %sign3A_1216 = arith.constant 0 : i32
      %sign3A_1217 = arith.cmpi slt, %jit3A_1204, %sign3A_1216 : i32
      %sign3A_1218 = arith.extui %sign3A_1217 : i1 to i32
      %sign3A_1219 = arith.subi %sign3A_1215, %sign3A_1218 : i32
      %ne3A_1220 = arith.cmpi ne, %sign3A_1212, %sign3A_1219 : i32
      %rem3A_1221 = arith.remsi %add3A_971, %jit3A_1204 : i32
      %ne3A_1222 = arith.constant 0 : i32
      %ne3A_1223 = arith.cmpi ne, %rem3A_1221, %ne3A_1222 : i32
      %and3A_1224 = arith.andi %ne3A_1220, %ne3A_1223 : i1
      %sub3A_1225 = arith.constant 1 : i32
      %sub3A_1226 = arith.subi %div3A_1205, %sub3A_1225 : i32
      %select_n3A_1227 = arith.select %and3A_1224, %sub3A_1226, %div3A_1205 : i32
      %add3A_1228 = arith.addi %mul3A_2, %select_n3A_1227 : i32
      %jit3A_1229 = arith.constant 32 : i32
      %div3A_1230 = arith.divsi %add3A_1228, %jit3A_1229 : i32
      %sign3A_1231 = arith.constant 0 : i32
      %sign3A_1232 = arith.cmpi sgt, %add3A_1228, %sign3A_1231 : i32
      %sign3A_1233 = arith.extui %sign3A_1232 : i1 to i32
      %sign3A_1234 = arith.constant 0 : i32
      %sign3A_1235 = arith.cmpi slt, %add3A_1228, %sign3A_1234 : i32
      %sign3A_1236 = arith.extui %sign3A_1235 : i1 to i32
      %sign3A_1237 = arith.subi %sign3A_1233, %sign3A_1236 : i32
      %sign3A_1238 = arith.constant 0 : i32
      %sign3A_1239 = arith.cmpi sgt, %jit3A_1229, %sign3A_1238 : i32
      %sign3A_1240 = arith.extui %sign3A_1239 : i1 to i32
      %sign3A_1241 = arith.constant 0 : i32
      %sign3A_1242 = arith.cmpi slt, %jit3A_1229, %sign3A_1241 : i32
      %sign3A_1243 = arith.extui %sign3A_1242 : i1 to i32
      %sign3A_1244 = arith.subi %sign3A_1240, %sign3A_1243 : i32
      %ne3A_1245 = arith.cmpi ne, %sign3A_1237, %sign3A_1244 : i32
      %rem3A_1246 = arith.remsi %add3A_1228, %jit3A_1229 : i32
      %ne3A_1247 = arith.constant 0 : i32
      %ne3A_1248 = arith.cmpi ne, %rem3A_1246, %ne3A_1247 : i32
      %and3A_1249 = arith.andi %ne3A_1245, %ne3A_1248 : i1
      %sub3A_1250 = arith.constant 1 : i32
      %sub3A_1251 = arith.subi %div3A_1230, %sub3A_1250 : i32
      %select_n3A_1252 = arith.select %and3A_1249, %sub3A_1251, %div3A_1230 : i32
      %mul3A_1253 = arith.constant 32 : i32
      %mul3A_1254 = arith.muli %select_n3A_1252, %mul3A_1253 : i32
      %sub3A_1255 = arith.subi %add3A_1228, %mul3A_1254 : i32
      %mul3A_1256 = arith.constant 128 : i32
      %mul3A_1257 = arith.muli %sub3A_1255, %mul3A_1256 : i32
      %mul3A_1258 = arith.constant 8 : i32
      %mul3A_1259 = arith.muli %select_n3A_1252, %mul3A_1258 : i32
      %jit3A_1260 = arith.constant 2 : i32
      %eq3A_1261 = arith.constant 0 : i32
      %eq3A_1262 = arith.cmpi eq, %jit3A_1260, %eq3A_1261 : i32
      %jit3A_1263 = arith.constant 1 : i32
      %select_n3A_1264 = arith.select %eq3A_1262, %jit3A_1263, %jit3A_1260 : i32
      %rem3A_1265 = arith.remsi %add3A_971, %select_n3A_1264 : i32
      %ne3A_1266 = arith.constant 0 : i32
      %ne3A_1267 = arith.cmpi ne, %rem3A_1265, %ne3A_1266 : i32
      %lt3A_1268 = arith.constant 0 : i32
      %lt3A_1269 = arith.cmpi slt, %rem3A_1265, %lt3A_1268 : i32
      %lt3A_1270 = arith.constant 0 : i32
      %lt3A_1271 = arith.cmpi slt, %select_n3A_1264, %lt3A_1270 : i32
      %ne3A_1272 = arith.xori %lt3A_1269, %lt3A_1271 : i1
      %and3A_1273 = arith.andi %ne3A_1272, %ne3A_1267 : i1
      %add3A_1274 = arith.addi %rem3A_1265, %select_n3A_1264 : i32
      %select_n3A_1275 = arith.select %and3A_1273, %add3A_1274, %rem3A_1265 : i32
      %mul3A_1276 = arith.constant 4 : i32
      %mul3A_1277 = arith.muli %select_n3A_1275, %mul3A_1276 : i32
      %add3A_1278 = arith.addi %mul3A_1259, %mul3A_1277 : i32
      %add3A_1279 = arith.constant 0 : i32
      %add3A_1280 = arith.addi %add3A_1278, %add3A_1279 : i32
      %dma_start3A_1281 = arith.constant 0 : i32
      %dma_start3A_1282 = arith.constant 0 : i32
      %dma_start3A_1283 = arith.constant 0 : i32
      %dma_start3A_1284 = arith.constant 0 : i32
      %dma_start3A_1285 = tpu.memref_slice %arg6[%dma_start3A_1281, %dma_start3A_1282, %dma_start3A_1283, %dma_start3A_1284] : memref<2x4x128x64xf32, #tpu.memory_space<vmem>> -> memref<1x1x128x64xf32, #tpu.memory_space<vmem>>
      %dma_start3A_1286 = tpu.memref_squeeze %dma_start3A_1285 : memref<1x1x128x64xf32, #tpu.memory_space<vmem>> -> memref<128x64xf32, #tpu.memory_space<vmem>>
      %dma_start3A_1287 = arith.constant 0 : i32
      %dma_start3A_1288 = tpu.memref_slice %arg4[%mul3A_1257, %add3A_1280, %dma_start3A_1287] : memref<4096x200x128xf32, #tpu.memory_space<hbm>> -> memref<128x1x64xf32, #tpu.memory_space<hbm>>
      %dma_start3A_1289 = tpu.memref_squeeze %dma_start3A_1288 : memref<128x1x64xf32, #tpu.memory_space<hbm>> -> memref<128x64xf32, #tpu.memory_space<hbm>>
      %dma_start3A_1290 = arith.constant 0 : i32
      %dma_start3A_1291 = tpu.memref_slice %arg4[%mul3A_1257, %add3A_1280, %dma_start3A_1290] : memref<4096x200x128xf32, #tpu.memory_space<hbm>> -> memref<128x1x64xf32, #tpu.memory_space<hbm>>
      %dma_start3A_1292 = tpu.memref_squeeze %dma_start3A_1291 : memref<128x1x64xf32, #tpu.memory_space<hbm>> -> memref<128x64xf32, #tpu.memory_space<hbm>>
      %dma_start3A_1293 = arith.constant 0 : i32
      %dma_start3A_1294 = arith.constant 0 : i32
      %dma_start3A_1295 = tpu.memref_slice %arg6[%dma_start3A_1281, %dma_start3A_1282, %dma_start3A_1293, %dma_start3A_1294] : memref<2x4x128x64xf32, #tpu.memory_space<vmem>> -> memref<1x1x128x64xf32, #tpu.memory_space<vmem>>
      %dma_start3A_1296 = tpu.memref_squeeze %dma_start3A_1295 : memref<1x1x128x64xf32, #tpu.memory_space<vmem>> -> memref<128x64xf32, #tpu.memory_space<vmem>>
      tpu.enqueue_dma source(%dma_start3A_1296 : memref<128x64xf32, #tpu.memory_space<vmem>>) target(%dma_start3A_1292 : memref<128x64xf32, #tpu.memory_space<hbm>>) target_semaphore(%arg9 : memref<!tpu.dma_semaphore, #tpu.memory_space<semaphore_mem>>)
      %add3A_1297 = arith.constant 1 : i32
      %add3A_1298 = arith.addi %add3A_1278, %add3A_1297 : i32
      %dma_start3A_1299 = arith.constant 0 : i32
      %dma_start3A_1300 = arith.constant 1 : i32
      %dma_start3A_1301 = arith.constant 0 : i32
      %dma_start3A_1302 = arith.constant 0 : i32
      %dma_start3A_1303 = tpu.memref_slice %arg6[%dma_start3A_1299, %dma_start3A_1300, %dma_start3A_1301, %dma_start3A_1302] : memref<2x4x128x64xf32, #tpu.memory_space<vmem>> -> memref<1x1x128x64xf32, #tpu.memory_space<vmem>>
      %dma_start3A_1304 = tpu.memref_squeeze %dma_start3A_1303 : memref<1x1x128x64xf32, #tpu.memory_space<vmem>> -> memref<128x64xf32, #tpu.memory_space<vmem>>
      %dma_start3A_1305 = arith.constant 0 : i32
      %dma_start3A_1306 = tpu.memref_slice %arg4[%mul3A_1257, %add3A_1298, %dma_start3A_1305] : memref<4096x200x128xf32, #tpu.memory_space<hbm>> -> memref<128x1x64xf32, #tpu.memory_space<hbm>>
      %dma_start3A_1307 = tpu.memref_squeeze %dma_start3A_1306 : memref<128x1x64xf32, #tpu.memory_space<hbm>> -> memref<128x64xf32, #tpu.memory_space<hbm>>
      %dma_start3A_1308 = arith.constant 0 : i32
      %dma_start3A_1309 = tpu.memref_slice %arg4[%mul3A_1257, %add3A_1298, %dma_start3A_1308] : memref<4096x200x128xf32, #tpu.memory_space<hbm>> -> memref<128x1x64xf32, #tpu.memory_space<hbm>>
      %dma_start3A_1310 = tpu.memref_squeeze %dma_start3A_1309 : memref<128x1x64xf32, #tpu.memory_space<hbm>> -> memref<128x64xf32, #tpu.memory_space<hbm>>
      %dma_start3A_1311 = arith.constant 0 : i32
      %dma_start3A_1312 = arith.constant 0 : i32
      %dma_start3A_1313 = tpu.memref_slice %arg6[%dma_start3A_1299, %dma_start3A_1300, %dma_start3A_1311, %dma_start3A_1312] : memref<2x4x128x64xf32, #tpu.memory_space<vmem>> -> memref<1x1x128x64xf32, #tpu.memory_space<vmem>>
      %dma_start3A_1314 = tpu.memref_squeeze %dma_start3A_1313 : memref<1x1x128x64xf32, #tpu.memory_space<vmem>> -> memref<128x64xf32, #tpu.memory_space<vmem>>
      tpu.enqueue_dma source(%dma_start3A_1314 : memref<128x64xf32, #tpu.memory_space<vmem>>) target(%dma_start3A_1310 : memref<128x64xf32, #tpu.memory_space<hbm>>) target_semaphore(%arg9 : memref<!tpu.dma_semaphore, #tpu.memory_space<semaphore_mem>>)
      %add3A_1315 = arith.constant 2 : i32
      %add3A_1316 = arith.addi %add3A_1278, %add3A_1315 : i32
      %dma_start3A_1317 = arith.constant 0 : i32
      %dma_start3A_1318 = arith.constant 2 : i32
      %dma_start3A_1319 = arith.constant 0 : i32
      %dma_start3A_1320 = arith.constant 0 : i32
      %dma_start3A_1321 = tpu.memref_slice %arg6[%dma_start3A_1317, %dma_start3A_1318, %dma_start3A_1319, %dma_start3A_1320] : memref<2x4x128x64xf32, #tpu.memory_space<vmem>> -> memref<1x1x128x64xf32, #tpu.memory_space<vmem>>
      %dma_start3A_1322 = tpu.memref_squeeze %dma_start3A_1321 : memref<1x1x128x64xf32, #tpu.memory_space<vmem>> -> memref<128x64xf32, #tpu.memory_space<vmem>>
      %dma_start3A_1323 = arith.constant 0 : i32
      %dma_start3A_1324 = tpu.memref_slice %arg4[%mul3A_1257, %add3A_1316, %dma_start3A_1323] : memref<4096x200x128xf32, #tpu.memory_space<hbm>> -> memref<128x1x64xf32, #tpu.memory_space<hbm>>
      %dma_start3A_1325 = tpu.memref_squeeze %dma_start3A_1324 : memref<128x1x64xf32, #tpu.memory_space<hbm>> -> memref<128x64xf32, #tpu.memory_space<hbm>>
      %dma_start3A_1326 = arith.constant 0 : i32
      %dma_start3A_1327 = tpu.memref_slice %arg4[%mul3A_1257, %add3A_1316, %dma_start3A_1326] : memref<4096x200x128xf32, #tpu.memory_space<hbm>> -> memref<128x1x64xf32, #tpu.memory_space<hbm>>
      %dma_start3A_1328 = tpu.memref_squeeze %dma_start3A_1327 : memref<128x1x64xf32, #tpu.memory_space<hbm>> -> memref<128x64xf32, #tpu.memory_space<hbm>>
      %dma_start3A_1329 = arith.constant 0 : i32
      %dma_start3A_1330 = arith.constant 0 : i32
      %dma_start3A_1331 = tpu.memref_slice %arg6[%dma_start3A_1317, %dma_start3A_1318, %dma_start3A_1329, %dma_start3A_1330] : memref<2x4x128x64xf32, #tpu.memory_space<vmem>> -> memref<1x1x128x64xf32, #tpu.memory_space<vmem>>
      %dma_start3A_1332 = tpu.memref_squeeze %dma_start3A_1331 : memref<1x1x128x64xf32, #tpu.memory_space<vmem>> -> memref<128x64xf32, #tpu.memory_space<vmem>>
      tpu.enqueue_dma source(%dma_start3A_1332 : memref<128x64xf32, #tpu.memory_space<vmem>>) target(%dma_start3A_1328 : memref<128x64xf32, #tpu.memory_space<hbm>>) target_semaphore(%arg9 : memref<!tpu.dma_semaphore, #tpu.memory_space<semaphore_mem>>)
      %add3A_1333 = arith.constant 3 : i32
      %add3A_1334 = arith.addi %add3A_1278, %add3A_1333 : i32
      %dma_start3A_1335 = arith.constant 0 : i32
      %dma_start3A_1336 = arith.constant 3 : i32
      %dma_start3A_1337 = arith.constant 0 : i32
      %dma_start3A_1338 = arith.constant 0 : i32
      %dma_start3A_1339 = tpu.memref_slice %arg6[%dma_start3A_1335, %dma_start3A_1336, %dma_start3A_1337, %dma_start3A_1338] : memref<2x4x128x64xf32, #tpu.memory_space<vmem>> -> memref<1x1x128x64xf32, #tpu.memory_space<vmem>>
      %dma_start3A_1340 = tpu.memref_squeeze %dma_start3A_1339 : memref<1x1x128x64xf32, #tpu.memory_space<vmem>> -> memref<128x64xf32, #tpu.memory_space<vmem>>
      %dma_start3A_1341 = arith.constant 0 : i32
      %dma_start3A_1342 = tpu.memref_slice %arg4[%mul3A_1257, %add3A_1334, %dma_start3A_1341] : memref<4096x200x128xf32, #tpu.memory_space<hbm>> -> memref<128x1x64xf32, #tpu.memory_space<hbm>>
      %dma_start3A_1343 = tpu.memref_squeeze %dma_start3A_1342 : memref<128x1x64xf32, #tpu.memory_space<hbm>> -> memref<128x64xf32, #tpu.memory_space<hbm>>
      %dma_start3A_1344 = arith.constant 0 : i32
      %dma_start3A_1345 = tpu.memref_slice %arg4[%mul3A_1257, %add3A_1334, %dma_start3A_1344] : memref<4096x200x128xf32, #tpu.memory_space<hbm>> -> memref<128x1x64xf32, #tpu.memory_space<hbm>>
      %dma_start3A_1346 = tpu.memref_squeeze %dma_start3A_1345 : memref<128x1x64xf32, #tpu.memory_space<hbm>> -> memref<128x64xf32, #tpu.memory_space<hbm>>
      %dma_start3A_1347 = arith.constant 0 : i32
      %dma_start3A_1348 = arith.constant 0 : i32
      %dma_start3A_1349 = tpu.memref_slice %arg6[%dma_start3A_1335, %dma_start3A_1336, %dma_start3A_1347, %dma_start3A_1348] : memref<2x4x128x64xf32, #tpu.memory_space<vmem>> -> memref<1x1x128x64xf32, #tpu.memory_space<vmem>>
      %dma_start3A_1350 = tpu.memref_squeeze %dma_start3A_1349 : memref<1x1x128x64xf32, #tpu.memory_space<vmem>> -> memref<128x64xf32, #tpu.memory_space<vmem>>
      tpu.enqueue_dma source(%dma_start3A_1350 : memref<128x64xf32, #tpu.memory_space<vmem>>) target(%dma_start3A_1346 : memref<128x64xf32, #tpu.memory_space<hbm>>) target_semaphore(%arg9 : memref<!tpu.dma_semaphore, #tpu.memory_space<semaphore_mem>>)
    }
    %scan3A_272 = arith.constant 24 : i32
    %dma_wait3A_273 = arith.constant 0 : i32
    %dma_wait3A_274 = arith.constant 0 : i32
    %dma_wait3A_275 = arith.constant 1 : i32
    %dma_wait3A_276 = arith.constant 0 : i32
    %dma_wait3A_277 = arith.constant 0 : i32
    %dma_wait3A_278 = arith.constant 0 : i32
    %dma_wait3A_279 = tpu.memref_slice %arg6[%dma_wait3A_275, %dma_wait3A_276, %dma_wait3A_277, %dma_wait3A_278] : memref<2x4x128x64xf32, #tpu.memory_space<vmem>> -> memref<1x1x128x64xf32, #tpu.memory_space<vmem>>
    %dma_wait3A_280 = tpu.memref_squeeze %dma_wait3A_279 : memref<1x1x128x64xf32, #tpu.memory_space<vmem>> -> memref<128x64xf32, #tpu.memory_space<vmem>>
    %dma_wait3A_281 = arith.constant 0 : i32
    %dma_wait3A_282 = tpu.memref_slice %arg5[%dma_wait3A_273, %dma_wait3A_274, %dma_wait3A_281] : memref<25x8x128xi32, #tpu.memory_space<vmem>> -> memref<1x1x128xi32, #tpu.memory_space<vmem>>
    %dma_wait3A_283 = tpu.memref_squeeze %dma_wait3A_282 : memref<1x1x128xi32, #tpu.memory_space<vmem>> -> memref<128xi32, #tpu.memory_space<vmem>>
    %dma_wait3A_284 = arith.constant 0 : i32
    %dma_wait3A_285 = arith.constant 0 : i32
    %dma_wait3A_286 = tpu.memref_slice %arg3[%dma_wait3A_284, %dma_wait3A_285] : memref<1000000x64xf32, #tpu.memory_space<hbm>> -> memref<1000000x64xf32, #tpu.memory_space<hbm>>
    tpu.wait_indirect_dma semaphore(%arg8 : memref<!tpu.dma_semaphore, #tpu.memory_space<semaphore_mem>>) src(%dma_wait3A_286 : memref<1000000x64xf32, #tpu.memory_space<hbm>>) dst(%dma_wait3A_280 : memref<128x64xf32, #tpu.memory_space<vmem>>)
    %dma_wait3A_287 = arith.constant 0 : i32
    %dma_wait3A_288 = arith.constant 1 : i32
    %dma_wait3A_289 = arith.constant 1 : i32
    %dma_wait3A_290 = arith.constant 1 : i32
    %dma_wait3A_291 = arith.constant 0 : i32
    %dma_wait3A_292 = arith.constant 0 : i32
    %dma_wait3A_293 = tpu.memref_slice %arg6[%dma_wait3A_289, %dma_wait3A_290, %dma_wait3A_291, %dma_wait3A_292] : memref<2x4x128x64xf32, #tpu.memory_space<vmem>> -> memref<1x1x128x64xf32, #tpu.memory_space<vmem>>
    %dma_wait3A_294 = tpu.memref_squeeze %dma_wait3A_293 : memref<1x1x128x64xf32, #tpu.memory_space<vmem>> -> memref<128x64xf32, #tpu.memory_space<vmem>>
    %dma_wait3A_295 = arith.constant 0 : i32
    %dma_wait3A_296 = tpu.memref_slice %arg5[%dma_wait3A_287, %dma_wait3A_288, %dma_wait3A_295] : memref<25x8x128xi32, #tpu.memory_space<vmem>> -> memref<1x1x128xi32, #tpu.memory_space<vmem>>
    %dma_wait3A_297 = tpu.memref_squeeze %dma_wait3A_296 : memref<1x1x128xi32, #tpu.memory_space<vmem>> -> memref<128xi32, #tpu.memory_space<vmem>>
    %dma_wait3A_298 = arith.constant 0 : i32
    %dma_wait3A_299 = arith.constant 0 : i32
    %dma_wait3A_300 = tpu.memref_slice %arg3[%dma_wait3A_298, %dma_wait3A_299] : memref<1000000x64xf32, #tpu.memory_space<hbm>> -> memref<1000000x64xf32, #tpu.memory_space<hbm>>
    tpu.wait_indirect_dma semaphore(%arg8 : memref<!tpu.dma_semaphore, #tpu.memory_space<semaphore_mem>>) src(%dma_wait3A_300 : memref<1000000x64xf32, #tpu.memory_space<hbm>>) dst(%dma_wait3A_294 : memref<128x64xf32, #tpu.memory_space<vmem>>)
    %dma_wait3A_301 = arith.constant 0 : i32
    %dma_wait3A_302 = arith.constant 2 : i32
    %dma_wait3A_303 = arith.constant 1 : i32
    %dma_wait3A_304 = arith.constant 2 : i32
    %dma_wait3A_305 = arith.constant 0 : i32
    %dma_wait3A_306 = arith.constant 0 : i32
    %dma_wait3A_307 = tpu.memref_slice %arg6[%dma_wait3A_303, %dma_wait3A_304, %dma_wait3A_305, %dma_wait3A_306] : memref<2x4x128x64xf32, #tpu.memory_space<vmem>> -> memref<1x1x128x64xf32, #tpu.memory_space<vmem>>
    %dma_wait3A_308 = tpu.memref_squeeze %dma_wait3A_307 : memref<1x1x128x64xf32, #tpu.memory_space<vmem>> -> memref<128x64xf32, #tpu.memory_space<vmem>>
    %dma_wait3A_309 = arith.constant 0 : i32
    %dma_wait3A_310 = tpu.memref_slice %arg5[%dma_wait3A_301, %dma_wait3A_302, %dma_wait3A_309] : memref<25x8x128xi32, #tpu.memory_space<vmem>> -> memref<1x1x128xi32, #tpu.memory_space<vmem>>
    %dma_wait3A_311 = tpu.memref_squeeze %dma_wait3A_310 : memref<1x1x128xi32, #tpu.memory_space<vmem>> -> memref<128xi32, #tpu.memory_space<vmem>>
    %dma_wait3A_312 = arith.constant 0 : i32
    %dma_wait3A_313 = arith.constant 0 : i32
    %dma_wait3A_314 = tpu.memref_slice %arg3[%dma_wait3A_312, %dma_wait3A_313] : memref<1000000x64xf32, #tpu.memory_space<hbm>> -> memref<1000000x64xf32, #tpu.memory_space<hbm>>
    tpu.wait_indirect_dma semaphore(%arg8 : memref<!tpu.dma_semaphore, #tpu.memory_space<semaphore_mem>>) src(%dma_wait3A_314 : memref<1000000x64xf32, #tpu.memory_space<hbm>>) dst(%dma_wait3A_308 : memref<128x64xf32, #tpu.memory_space<vmem>>)
    %dma_wait3A_315 = arith.constant 0 : i32
    %dma_wait3A_316 = arith.constant 3 : i32
    %dma_wait3A_317 = arith.constant 1 : i32
    %dma_wait3A_318 = arith.constant 3 : i32
    %dma_wait3A_319 = arith.constant 0 : i32
    %dma_wait3A_320 = arith.constant 0 : i32
    %dma_wait3A_321 = tpu.memref_slice %arg6[%dma_wait3A_317, %dma_wait3A_318, %dma_wait3A_319, %dma_wait3A_320] : memref<2x4x128x64xf32, #tpu.memory_space<vmem>> -> memref<1x1x128x64xf32, #tpu.memory_space<vmem>>
    %dma_wait3A_322 = tpu.memref_squeeze %dma_wait3A_321 : memref<1x1x128x64xf32, #tpu.memory_space<vmem>> -> memref<128x64xf32, #tpu.memory_space<vmem>>
    %dma_wait3A_323 = arith.constant 0 : i32
    %dma_wait3A_324 = tpu.memref_slice %arg5[%dma_wait3A_315, %dma_wait3A_316, %dma_wait3A_323] : memref<25x8x128xi32, #tpu.memory_space<vmem>> -> memref<1x1x128xi32, #tpu.memory_space<vmem>>
    %dma_wait3A_325 = tpu.memref_squeeze %dma_wait3A_324 : memref<1x1x128xi32, #tpu.memory_space<vmem>> -> memref<128xi32, #tpu.memory_space<vmem>>
    %dma_wait3A_326 = arith.constant 0 : i32
    %dma_wait3A_327 = arith.constant 0 : i32
    %dma_wait3A_328 = tpu.memref_slice %arg3[%dma_wait3A_326, %dma_wait3A_327] : memref<1000000x64xf32, #tpu.memory_space<hbm>> -> memref<1000000x64xf32, #tpu.memory_space<hbm>>
    tpu.wait_indirect_dma semaphore(%arg8 : memref<!tpu.dma_semaphore, #tpu.memory_space<semaphore_mem>>) src(%dma_wait3A_328 : memref<1000000x64xf32, #tpu.memory_space<hbm>>) dst(%dma_wait3A_322 : memref<128x64xf32, #tpu.memory_space<vmem>>)
    %add3A_329 = arith.constant 24 : i32
    %add3A_330 = arith.addi %mul3A_2, %add3A_329 : i32
    %jit3A_331 = arith.constant 32 : i32
    %div3A_332 = arith.divsi %add3A_330, %jit3A_331 : i32
    %sign3A_333 = arith.constant 0 : i32
    %sign3A_334 = arith.cmpi sgt, %add3A_330, %sign3A_333 : i32
    %sign3A_335 = arith.extui %sign3A_334 : i1 to i32
    %sign3A_336 = arith.constant 0 : i32
    %sign3A_337 = arith.cmpi slt, %add3A_330, %sign3A_336 : i32
    %sign3A_338 = arith.extui %sign3A_337 : i1 to i32
    %sign3A_339 = arith.subi %sign3A_335, %sign3A_338 : i32
    %sign3A_340 = arith.constant 0 : i32
    %sign3A_341 = arith.cmpi sgt, %jit3A_331, %sign3A_340 : i32
    %sign3A_342 = arith.extui %sign3A_341 : i1 to i32
    %sign3A_343 = arith.constant 0 : i32
    %sign3A_344 = arith.cmpi slt, %jit3A_331, %sign3A_343 : i32
    %sign3A_345 = arith.extui %sign3A_344 : i1 to i32
    %sign3A_346 = arith.subi %sign3A_342, %sign3A_345 : i32
    %ne3A_347 = arith.cmpi ne, %sign3A_339, %sign3A_346 : i32
    %rem3A_348 = arith.remsi %add3A_330, %jit3A_331 : i32
    %ne3A_349 = arith.constant 0 : i32
    %ne3A_350 = arith.cmpi ne, %rem3A_348, %ne3A_349 : i32
    %and3A_351 = arith.andi %ne3A_347, %ne3A_350 : i1
    %sub3A_352 = arith.constant 1 : i32
    %sub3A_353 = arith.subi %div3A_332, %sub3A_352 : i32
    %select_n3A_354 = arith.select %and3A_351, %sub3A_353, %div3A_332 : i32
    %mul3A_355 = arith.constant 32 : i32
    %mul3A_356 = arith.muli %select_n3A_354, %mul3A_355 : i32
    %sub3A_357 = arith.subi %add3A_330, %mul3A_356 : i32
    %mul3A_358 = arith.constant 128 : i32
    %mul3A_359 = arith.muli %sub3A_357, %mul3A_358 : i32
    %mul3A_360 = arith.constant 8 : i32
    %mul3A_361 = arith.muli %select_n3A_354, %mul3A_360 : i32
    %add3A_362 = arith.constant 4 : i32
    %add3A_363 = arith.addi %mul3A_361, %add3A_362 : i32
    %add3A_364 = arith.constant 0 : i32
    %add3A_365 = arith.addi %add3A_363, %add3A_364 : i32
    %dma_start3A_366 = arith.constant 1 : i32
    %dma_start3A_367 = arith.constant 0 : i32
    %dma_start3A_368 = arith.constant 0 : i32
    %dma_start3A_369 = arith.constant 0 : i32
    %dma_start3A_370 = tpu.memref_slice %arg6[%dma_start3A_366, %dma_start3A_367, %dma_start3A_368, %dma_start3A_369] : memref<2x4x128x64xf32, #tpu.memory_space<vmem>> -> memref<1x1x128x64xf32, #tpu.memory_space<vmem>>
    %dma_start3A_371 = tpu.memref_squeeze %dma_start3A_370 : memref<1x1x128x64xf32, #tpu.memory_space<vmem>> -> memref<128x64xf32, #tpu.memory_space<vmem>>
    %dma_start3A_372 = arith.constant 0 : i32
    %dma_start3A_373 = tpu.memref_slice %arg4[%mul3A_359, %add3A_365, %dma_start3A_372] : memref<4096x200x128xf32, #tpu.memory_space<hbm>> -> memref<128x1x64xf32, #tpu.memory_space<hbm>>
    %dma_start3A_374 = tpu.memref_squeeze %dma_start3A_373 : memref<128x1x64xf32, #tpu.memory_space<hbm>> -> memref<128x64xf32, #tpu.memory_space<hbm>>
    %dma_start3A_375 = arith.constant 0 : i32
    %dma_start3A_376 = tpu.memref_slice %arg4[%mul3A_359, %add3A_365, %dma_start3A_375] : memref<4096x200x128xf32, #tpu.memory_space<hbm>> -> memref<128x1x64xf32, #tpu.memory_space<hbm>>
    %dma_start3A_377 = tpu.memref_squeeze %dma_start3A_376 : memref<128x1x64xf32, #tpu.memory_space<hbm>> -> memref<128x64xf32, #tpu.memory_space<hbm>>
    %dma_start3A_378 = arith.constant 0 : i32
    %dma_start3A_379 = arith.constant 0 : i32
    %dma_start3A_380 = tpu.memref_slice %arg6[%dma_start3A_366, %dma_start3A_367, %dma_start3A_378, %dma_start3A_379] : memref<2x4x128x64xf32, #tpu.memory_space<vmem>> -> memref<1x1x128x64xf32, #tpu.memory_space<vmem>>
    %dma_start3A_381 = tpu.memref_squeeze %dma_start3A_380 : memref<1x1x128x64xf32, #tpu.memory_space<vmem>> -> memref<128x64xf32, #tpu.memory_space<vmem>>
    tpu.enqueue_dma source(%dma_start3A_381 : memref<128x64xf32, #tpu.memory_space<vmem>>) target(%dma_start3A_377 : memref<128x64xf32, #tpu.memory_space<hbm>>) target_semaphore(%arg10 : memref<!tpu.dma_semaphore, #tpu.memory_space<semaphore_mem>>)
    %add3A_382 = arith.constant 1 : i32
    %add3A_383 = arith.addi %add3A_363, %add3A_382 : i32
    %dma_start3A_384 = arith.constant 1 : i32
    %dma_start3A_385 = arith.constant 1 : i32
    %dma_start3A_386 = arith.constant 0 : i32
    %dma_start3A_387 = arith.constant 0 : i32
    %dma_start3A_388 = tpu.memref_slice %arg6[%dma_start3A_384, %dma_start3A_385, %dma_start3A_386, %dma_start3A_387] : memref<2x4x128x64xf32, #tpu.memory_space<vmem>> -> memref<1x1x128x64xf32, #tpu.memory_space<vmem>>
    %dma_start3A_389 = tpu.memref_squeeze %dma_start3A_388 : memref<1x1x128x64xf32, #tpu.memory_space<vmem>> -> memref<128x64xf32, #tpu.memory_space<vmem>>
    %dma_start3A_390 = arith.constant 0 : i32
    %dma_start3A_391 = tpu.memref_slice %arg4[%mul3A_359, %add3A_383, %dma_start3A_390] : memref<4096x200x128xf32, #tpu.memory_space<hbm>> -> memref<128x1x64xf32, #tpu.memory_space<hbm>>
    %dma_start3A_392 = tpu.memref_squeeze %dma_start3A_391 : memref<128x1x64xf32, #tpu.memory_space<hbm>> -> memref<128x64xf32, #tpu.memory_space<hbm>>
    %dma_start3A_393 = arith.constant 0 : i32
    %dma_start3A_394 = tpu.memref_slice %arg4[%mul3A_359, %add3A_383, %dma_start3A_393] : memref<4096x200x128xf32, #tpu.memory_space<hbm>> -> memref<128x1x64xf32, #tpu.memory_space<hbm>>
    %dma_start3A_395 = tpu.memref_squeeze %dma_start3A_394 : memref<128x1x64xf32, #tpu.memory_space<hbm>> -> memref<128x64xf32, #tpu.memory_space<hbm>>
    %dma_start3A_396 = arith.constant 0 : i32
    %dma_start3A_397 = arith.constant 0 : i32
    %dma_start3A_398 = tpu.memref_slice %arg6[%dma_start3A_384, %dma_start3A_385, %dma_start3A_396, %dma_start3A_397] : memref<2x4x128x64xf32, #tpu.memory_space<vmem>> -> memref<1x1x128x64xf32, #tpu.memory_space<vmem>>
    %dma_start3A_399 = tpu.memref_squeeze %dma_start3A_398 : memref<1x1x128x64xf32, #tpu.memory_space<vmem>> -> memref<128x64xf32, #tpu.memory_space<vmem>>
    tpu.enqueue_dma source(%dma_start3A_399 : memref<128x64xf32, #tpu.memory_space<vmem>>) target(%dma_start3A_395 : memref<128x64xf32, #tpu.memory_space<hbm>>) target_semaphore(%arg10 : memref<!tpu.dma_semaphore, #tpu.memory_space<semaphore_mem>>)
    %add3A_400 = arith.constant 2 : i32
    %add3A_401 = arith.addi %add3A_363, %add3A_400 : i32
    %dma_start3A_402 = arith.constant 1 : i32
    %dma_start3A_403 = arith.constant 2 : i32
    %dma_start3A_404 = arith.constant 0 : i32
    %dma_start3A_405 = arith.constant 0 : i32
    %dma_start3A_406 = tpu.memref_slice %arg6[%dma_start3A_402, %dma_start3A_403, %dma_start3A_404, %dma_start3A_405] : memref<2x4x128x64xf32, #tpu.memory_space<vmem>> -> memref<1x1x128x64xf32, #tpu.memory_space<vmem>>
    %dma_start3A_407 = tpu.memref_squeeze %dma_start3A_406 : memref<1x1x128x64xf32, #tpu.memory_space<vmem>> -> memref<128x64xf32, #tpu.memory_space<vmem>>
    %dma_start3A_408 = arith.constant 0 : i32
    %dma_start3A_409 = tpu.memref_slice %arg4[%mul3A_359, %add3A_401, %dma_start3A_408] : memref<4096x200x128xf32, #tpu.memory_space<hbm>> -> memref<128x1x64xf32, #tpu.memory_space<hbm>>
    %dma_start3A_410 = tpu.memref_squeeze %dma_start3A_409 : memref<128x1x64xf32, #tpu.memory_space<hbm>> -> memref<128x64xf32, #tpu.memory_space<hbm>>
    %dma_start3A_411 = arith.constant 0 : i32
    %dma_start3A_412 = tpu.memref_slice %arg4[%mul3A_359, %add3A_401, %dma_start3A_411] : memref<4096x200x128xf32, #tpu.memory_space<hbm>> -> memref<128x1x64xf32, #tpu.memory_space<hbm>>
    %dma_start3A_413 = tpu.memref_squeeze %dma_start3A_412 : memref<128x1x64xf32, #tpu.memory_space<hbm>> -> memref<128x64xf32, #tpu.memory_space<hbm>>
    %dma_start3A_414 = arith.constant 0 : i32
    %dma_start3A_415 = arith.constant 0 : i32
    %dma_start3A_416 = tpu.memref_slice %arg6[%dma_start3A_402, %dma_start3A_403, %dma_start3A_414, %dma_start3A_415] : memref<2x4x128x64xf32, #tpu.memory_space<vmem>> -> memref<1x1x128x64xf32, #tpu.memory_space<vmem>>
    %dma_start3A_417 = tpu.memref_squeeze %dma_start3A_416 : memref<1x1x128x64xf32, #tpu.memory_space<vmem>> -> memref<128x64xf32, #tpu.memory_space<vmem>>
    tpu.enqueue_dma source(%dma_start3A_417 : memref<128x64xf32, #tpu.memory_space<vmem>>) target(%dma_start3A_413 : memref<128x64xf32, #tpu.memory_space<hbm>>) target_semaphore(%arg10 : memref<!tpu.dma_semaphore, #tpu.memory_space<semaphore_mem>>)
    %add3A_418 = arith.constant 3 : i32
    %add3A_419 = arith.addi %add3A_363, %add3A_418 : i32
    %dma_start3A_420 = arith.constant 1 : i32
    %dma_start3A_421 = arith.constant 3 : i32
    %dma_start3A_422 = arith.constant 0 : i32
    %dma_start3A_423 = arith.constant 0 : i32
    %dma_start3A_424 = tpu.memref_slice %arg6[%dma_start3A_420, %dma_start3A_421, %dma_start3A_422, %dma_start3A_423] : memref<2x4x128x64xf32, #tpu.memory_space<vmem>> -> memref<1x1x128x64xf32, #tpu.memory_space<vmem>>
    %dma_start3A_425 = tpu.memref_squeeze %dma_start3A_424 : memref<1x1x128x64xf32, #tpu.memory_space<vmem>> -> memref<128x64xf32, #tpu.memory_space<vmem>>
    %dma_start3A_426 = arith.constant 0 : i32
    %dma_start3A_427 = tpu.memref_slice %arg4[%mul3A_359, %add3A_419, %dma_start3A_426] : memref<4096x200x128xf32, #tpu.memory_space<hbm>> -> memref<128x1x64xf32, #tpu.memory_space<hbm>>
    %dma_start3A_428 = tpu.memref_squeeze %dma_start3A_427 : memref<128x1x64xf32, #tpu.memory_space<hbm>> -> memref<128x64xf32, #tpu.memory_space<hbm>>
    %dma_start3A_429 = arith.constant 0 : i32
    %dma_start3A_430 = tpu.memref_slice %arg4[%mul3A_359, %add3A_419, %dma_start3A_429] : memref<4096x200x128xf32, #tpu.memory_space<hbm>> -> memref<128x1x64xf32, #tpu.memory_space<hbm>>
    %dma_start3A_431 = tpu.memref_squeeze %dma_start3A_430 : memref<128x1x64xf32, #tpu.memory_space<hbm>> -> memref<128x64xf32, #tpu.memory_space<hbm>>
    %dma_start3A_432 = arith.constant 0 : i32
    %dma_start3A_433 = arith.constant 0 : i32
    %dma_start3A_434 = tpu.memref_slice %arg6[%dma_start3A_420, %dma_start3A_421, %dma_start3A_432, %dma_start3A_433] : memref<2x4x128x64xf32, #tpu.memory_space<vmem>> -> memref<1x1x128x64xf32, #tpu.memory_space<vmem>>
    %dma_start3A_435 = tpu.memref_squeeze %dma_start3A_434 : memref<1x1x128x64xf32, #tpu.memory_space<vmem>> -> memref<128x64xf32, #tpu.memory_space<vmem>>
    tpu.enqueue_dma source(%dma_start3A_435 : memref<128x64xf32, #tpu.memory_space<vmem>>) target(%dma_start3A_431 : memref<128x64xf32, #tpu.memory_space<hbm>>) target_semaphore(%arg10 : memref<!tpu.dma_semaphore, #tpu.memory_space<semaphore_mem>>)
    %dma_wait3A_436 = arith.constant 0 : i32
    %dma_wait3A_437 = arith.constant 0 : i32
    %dma_wait3A_438 = arith.constant 0 : i32
    %dma_wait3A_439 = arith.constant 0 : i32
    %dma_wait3A_440 = arith.constant 0 : i32
    %dma_wait3A_441 = tpu.memref_slice %arg6[%dma_wait3A_436, %dma_wait3A_437, %dma_wait3A_439, %dma_wait3A_440] : memref<2x4x128x64xf32, #tpu.memory_space<vmem>> -> memref<1x1x128x64xf32, #tpu.memory_space<vmem>>
    %dma_wait3A_442 = tpu.memref_squeeze %dma_wait3A_441 : memref<1x1x128x64xf32, #tpu.memory_space<vmem>> -> memref<128x64xf32, #tpu.memory_space<vmem>>
    %dma_wait3A_443 = arith.constant 0 : i32
    %dma_wait3A_444 = arith.constant 0 : i32
    %dma_wait3A_445 = tpu.memref_slice %arg4[%dma_wait3A_443, %dma_wait3A_438, %dma_wait3A_444] : memref<4096x200x128xf32, #tpu.memory_space<hbm>> -> memref<128x1x64xf32, #tpu.memory_space<hbm>>
    %dma_wait3A_446 = tpu.memref_squeeze %dma_wait3A_445 : memref<128x1x64xf32, #tpu.memory_space<hbm>> -> memref<128x64xf32, #tpu.memory_space<hbm>>
    %dma_wait3A_447 = arith.constant 0 : i32
    %dma_wait3A_448 = arith.constant 0 : i32
    %dma_wait3A_449 = tpu.memref_slice %arg4[%dma_wait3A_447, %dma_wait3A_438, %dma_wait3A_448] : memref<4096x200x128xf32, #tpu.memory_space<hbm>> -> memref<128x1x64xf32, #tpu.memory_space<hbm>>
    %dma_wait3A_450 = tpu.memref_squeeze %dma_wait3A_449 : memref<128x1x64xf32, #tpu.memory_space<hbm>> -> memref<128x64xf32, #tpu.memory_space<hbm>>
    %dma_wait3A_451 = arith.constant 0 : i32
    %dma_wait3A_452 = arith.constant 0 : i32
    %dma_wait3A_453 = tpu.memref_slice %arg6[%dma_wait3A_436, %dma_wait3A_437, %dma_wait3A_451, %dma_wait3A_452] : memref<2x4x128x64xf32, #tpu.memory_space<vmem>> -> memref<1x1x128x64xf32, #tpu.memory_space<vmem>>
    %dma_wait3A_454 = tpu.memref_squeeze %dma_wait3A_453 : memref<1x1x128x64xf32, #tpu.memory_space<vmem>> -> memref<128x64xf32, #tpu.memory_space<vmem>>
    tpu.wait_dma2 semaphore(%arg9 : memref<!tpu.dma_semaphore, #tpu.memory_space<semaphore_mem>>) src(%dma_wait3A_454 : memref<128x64xf32, #tpu.memory_space<vmem>>) dst(%dma_wait3A_450 : memref<128x64xf32, #tpu.memory_space<hbm>>)
    %dma_wait3A_455 = arith.constant 0 : i32
    %dma_wait3A_456 = arith.constant 1 : i32
    %dma_wait3A_457 = arith.constant 0 : i32
    %dma_wait3A_458 = arith.constant 0 : i32
    %dma_wait3A_459 = arith.constant 0 : i32
    %dma_wait3A_460 = tpu.memref_slice %arg6[%dma_wait3A_455, %dma_wait3A_456, %dma_wait3A_458, %dma_wait3A_459] : memref<2x4x128x64xf32, #tpu.memory_space<vmem>> -> memref<1x1x128x64xf32, #tpu.memory_space<vmem>>
    %dma_wait3A_461 = tpu.memref_squeeze %dma_wait3A_460 : memref<1x1x128x64xf32, #tpu.memory_space<vmem>> -> memref<128x64xf32, #tpu.memory_space<vmem>>
    %dma_wait3A_462 = arith.constant 0 : i32
    %dma_wait3A_463 = arith.constant 0 : i32
    %dma_wait3A_464 = tpu.memref_slice %arg4[%dma_wait3A_462, %dma_wait3A_457, %dma_wait3A_463] : memref<4096x200x128xf32, #tpu.memory_space<hbm>> -> memref<128x1x64xf32, #tpu.memory_space<hbm>>
    %dma_wait3A_465 = tpu.memref_squeeze %dma_wait3A_464 : memref<128x1x64xf32, #tpu.memory_space<hbm>> -> memref<128x64xf32, #tpu.memory_space<hbm>>
    %dma_wait3A_466 = arith.constant 0 : i32
    %dma_wait3A_467 = arith.constant 0 : i32
    %dma_wait3A_468 = tpu.memref_slice %arg4[%dma_wait3A_466, %dma_wait3A_457, %dma_wait3A_467] : memref<4096x200x128xf32, #tpu.memory_space<hbm>> -> memref<128x1x64xf32, #tpu.memory_space<hbm>>
    %dma_wait3A_469 = tpu.memref_squeeze %dma_wait3A_468 : memref<128x1x64xf32, #tpu.memory_space<hbm>> -> memref<128x64xf32, #tpu.memory_space<hbm>>
    %dma_wait3A_470 = arith.constant 0 : i32
    %dma_wait3A_471 = arith.constant 0 : i32
    %dma_wait3A_472 = tpu.memref_slice %arg6[%dma_wait3A_455, %dma_wait3A_456, %dma_wait3A_470, %dma_wait3A_471] : memref<2x4x128x64xf32, #tpu.memory_space<vmem>> -> memref<1x1x128x64xf32, #tpu.memory_space<vmem>>
    %dma_wait3A_473 = tpu.memref_squeeze %dma_wait3A_472 : memref<1x1x128x64xf32, #tpu.memory_space<vmem>> -> memref<128x64xf32, #tpu.memory_space<vmem>>
    tpu.wait_dma2 semaphore(%arg9 : memref<!tpu.dma_semaphore, #tpu.memory_space<semaphore_mem>>) src(%dma_wait3A_473 : memref<128x64xf32, #tpu.memory_space<vmem>>) dst(%dma_wait3A_469 : memref<128x64xf32, #tpu.memory_space<hbm>>)
    %dma_wait3A_474 = arith.constant 0 : i32
    %dma_wait3A_475 = arith.constant 2 : i32
    %dma_wait3A_476 = arith.constant 0 : i32
    %dma_wait3A_477 = arith.constant 0 : i32
    %dma_wait3A_478 = arith.constant 0 : i32
    %dma_wait3A_479 = tpu.memref_slice %arg6[%dma_wait3A_474, %dma_wait3A_475, %dma_wait3A_477, %dma_wait3A_478] : memref<2x4x128x64xf32, #tpu.memory_space<vmem>> -> memref<1x1x128x64xf32, #tpu.memory_space<vmem>>
    %dma_wait3A_480 = tpu.memref_squeeze %dma_wait3A_479 : memref<1x1x128x64xf32, #tpu.memory_space<vmem>> -> memref<128x64xf32, #tpu.memory_space<vmem>>
    %dma_wait3A_481 = arith.constant 0 : i32
    %dma_wait3A_482 = arith.constant 0 : i32
    %dma_wait3A_483 = tpu.memref_slice %arg4[%dma_wait3A_481, %dma_wait3A_476, %dma_wait3A_482] : memref<4096x200x128xf32, #tpu.memory_space<hbm>> -> memref<128x1x64xf32, #tpu.memory_space<hbm>>
    %dma_wait3A_484 = tpu.memref_squeeze %dma_wait3A_483 : memref<128x1x64xf32, #tpu.memory_space<hbm>> -> memref<128x64xf32, #tpu.memory_space<hbm>>
    %dma_wait3A_485 = arith.constant 0 : i32
    %dma_wait3A_486 = arith.constant 0 : i32
    %dma_wait3A_487 = tpu.memref_slice %arg4[%dma_wait3A_485, %dma_wait3A_476, %dma_wait3A_486] : memref<4096x200x128xf32, #tpu.memory_space<hbm>> -> memref<128x1x64xf32, #tpu.memory_space<hbm>>
    %dma_wait3A_488 = tpu.memref_squeeze %dma_wait3A_487 : memref<128x1x64xf32, #tpu.memory_space<hbm>> -> memref<128x64xf32, #tpu.memory_space<hbm>>
    %dma_wait3A_489 = arith.constant 0 : i32
    %dma_wait3A_490 = arith.constant 0 : i32
    %dma_wait3A_491 = tpu.memref_slice %arg6[%dma_wait3A_474, %dma_wait3A_475, %dma_wait3A_489, %dma_wait3A_490] : memref<2x4x128x64xf32, #tpu.memory_space<vmem>> -> memref<1x1x128x64xf32, #tpu.memory_space<vmem>>
    %dma_wait3A_492 = tpu.memref_squeeze %dma_wait3A_491 : memref<1x1x128x64xf32, #tpu.memory_space<vmem>> -> memref<128x64xf32, #tpu.memory_space<vmem>>
    tpu.wait_dma2 semaphore(%arg9 : memref<!tpu.dma_semaphore, #tpu.memory_space<semaphore_mem>>) src(%dma_wait3A_492 : memref<128x64xf32, #tpu.memory_space<vmem>>) dst(%dma_wait3A_488 : memref<128x64xf32, #tpu.memory_space<hbm>>)
    %dma_wait3A_493 = arith.constant 0 : i32
    %dma_wait3A_494 = arith.constant 3 : i32
    %dma_wait3A_495 = arith.constant 0 : i32
    %dma_wait3A_496 = arith.constant 0 : i32
    %dma_wait3A_497 = arith.constant 0 : i32
    %dma_wait3A_498 = tpu.memref_slice %arg6[%dma_wait3A_493, %dma_wait3A_494, %dma_wait3A_496, %dma_wait3A_497] : memref<2x4x128x64xf32, #tpu.memory_space<vmem>> -> memref<1x1x128x64xf32, #tpu.memory_space<vmem>>
    %dma_wait3A_499 = tpu.memref_squeeze %dma_wait3A_498 : memref<1x1x128x64xf32, #tpu.memory_space<vmem>> -> memref<128x64xf32, #tpu.memory_space<vmem>>
    %dma_wait3A_500 = arith.constant 0 : i32
    %dma_wait3A_501 = arith.constant 0 : i32
    %dma_wait3A_502 = tpu.memref_slice %arg4[%dma_wait3A_500, %dma_wait3A_495, %dma_wait3A_501] : memref<4096x200x128xf32, #tpu.memory_space<hbm>> -> memref<128x1x64xf32, #tpu.memory_space<hbm>>
    %dma_wait3A_503 = tpu.memref_squeeze %dma_wait3A_502 : memref<128x1x64xf32, #tpu.memory_space<hbm>> -> memref<128x64xf32, #tpu.memory_space<hbm>>
    %dma_wait3A_504 = arith.constant 0 : i32
    %dma_wait3A_505 = arith.constant 0 : i32
    %dma_wait3A_506 = tpu.memref_slice %arg4[%dma_wait3A_504, %dma_wait3A_495, %dma_wait3A_505] : memref<4096x200x128xf32, #tpu.memory_space<hbm>> -> memref<128x1x64xf32, #tpu.memory_space<hbm>>
    %dma_wait3A_507 = tpu.memref_squeeze %dma_wait3A_506 : memref<128x1x64xf32, #tpu.memory_space<hbm>> -> memref<128x64xf32, #tpu.memory_space<hbm>>
    %dma_wait3A_508 = arith.constant 0 : i32
    %dma_wait3A_509 = arith.constant 0 : i32
    %dma_wait3A_510 = tpu.memref_slice %arg6[%dma_wait3A_493, %dma_wait3A_494, %dma_wait3A_508, %dma_wait3A_509] : memref<2x4x128x64xf32, #tpu.memory_space<vmem>> -> memref<1x1x128x64xf32, #tpu.memory_space<vmem>>
    %dma_wait3A_511 = tpu.memref_squeeze %dma_wait3A_510 : memref<1x1x128x64xf32, #tpu.memory_space<vmem>> -> memref<128x64xf32, #tpu.memory_space<vmem>>
    tpu.wait_dma2 semaphore(%arg9 : memref<!tpu.dma_semaphore, #tpu.memory_space<semaphore_mem>>) src(%dma_wait3A_511 : memref<128x64xf32, #tpu.memory_space<vmem>>) dst(%dma_wait3A_507 : memref<128x64xf32, #tpu.memory_space<hbm>>)
    %dma_wait3A_512 = arith.constant 1 : i32
    %dma_wait3A_513 = arith.constant 0 : i32
    %dma_wait3A_514 = arith.constant 0 : i32
    %dma_wait3A_515 = arith.constant 0 : i32
    %dma_wait3A_516 = arith.constant 0 : i32
    %dma_wait3A_517 = tpu.memref_slice %arg6[%dma_wait3A_512, %dma_wait3A_513, %dma_wait3A_515, %dma_wait3A_516] : memref<2x4x128x64xf32, #tpu.memory_space<vmem>> -> memref<1x1x128x64xf32, #tpu.memory_space<vmem>>
    %dma_wait3A_518 = tpu.memref_squeeze %dma_wait3A_517 : memref<1x1x128x64xf32, #tpu.memory_space<vmem>> -> memref<128x64xf32, #tpu.memory_space<vmem>>
    %dma_wait3A_519 = arith.constant 0 : i32
    %dma_wait3A_520 = arith.constant 0 : i32
    %dma_wait3A_521 = tpu.memref_slice %arg4[%dma_wait3A_519, %dma_wait3A_514, %dma_wait3A_520] : memref<4096x200x128xf32, #tpu.memory_space<hbm>> -> memref<128x1x64xf32, #tpu.memory_space<hbm>>
    %dma_wait3A_522 = tpu.memref_squeeze %dma_wait3A_521 : memref<128x1x64xf32, #tpu.memory_space<hbm>> -> memref<128x64xf32, #tpu.memory_space<hbm>>
    %dma_wait3A_523 = arith.constant 0 : i32
    %dma_wait3A_524 = arith.constant 0 : i32
    %dma_wait3A_525 = tpu.memref_slice %arg4[%dma_wait3A_523, %dma_wait3A_514, %dma_wait3A_524] : memref<4096x200x128xf32, #tpu.memory_space<hbm>> -> memref<128x1x64xf32, #tpu.memory_space<hbm>>
    %dma_wait3A_526 = tpu.memref_squeeze %dma_wait3A_525 : memref<128x1x64xf32, #tpu.memory_space<hbm>> -> memref<128x64xf32, #tpu.memory_space<hbm>>
    %dma_wait3A_527 = arith.constant 0 : i32
    %dma_wait3A_528 = arith.constant 0 : i32
    %dma_wait3A_529 = tpu.memref_slice %arg6[%dma_wait3A_512, %dma_wait3A_513, %dma_wait3A_527, %dma_wait3A_528] : memref<2x4x128x64xf32, #tpu.memory_space<vmem>> -> memref<1x1x128x64xf32, #tpu.memory_space<vmem>>
    %dma_wait3A_530 = tpu.memref_squeeze %dma_wait3A_529 : memref<1x1x128x64xf32, #tpu.memory_space<vmem>> -> memref<128x64xf32, #tpu.memory_space<vmem>>
    tpu.wait_dma2 semaphore(%arg10 : memref<!tpu.dma_semaphore, #tpu.memory_space<semaphore_mem>>) src(%dma_wait3A_530 : memref<128x64xf32, #tpu.memory_space<vmem>>) dst(%dma_wait3A_526 : memref<128x64xf32, #tpu.memory_space<hbm>>)
    %dma_wait3A_531 = arith.constant 1 : i32
    %dma_wait3A_532 = arith.constant 1 : i32
    %dma_wait3A_533 = arith.constant 0 : i32
    %dma_wait3A_534 = arith.constant 0 : i32
    %dma_wait3A_535 = arith.constant 0 : i32
    %dma_wait3A_536 = tpu.memref_slice %arg6[%dma_wait3A_531, %dma_wait3A_532, %dma_wait3A_534, %dma_wait3A_535] : memref<2x4x128x64xf32, #tpu.memory_space<vmem>> -> memref<1x1x128x64xf32, #tpu.memory_space<vmem>>
    %dma_wait3A_537 = tpu.memref_squeeze %dma_wait3A_536 : memref<1x1x128x64xf32, #tpu.memory_space<vmem>> -> memref<128x64xf32, #tpu.memory_space<vmem>>
    %dma_wait3A_538 = arith.constant 0 : i32
    %dma_wait3A_539 = arith.constant 0 : i32
    %dma_wait3A_540 = tpu.memref_slice %arg4[%dma_wait3A_538, %dma_wait3A_533, %dma_wait3A_539] : memref<4096x200x128xf32, #tpu.memory_space<hbm>> -> memref<128x1x64xf32, #tpu.memory_space<hbm>>
    %dma_wait3A_541 = tpu.memref_squeeze %dma_wait3A_540 : memref<128x1x64xf32, #tpu.memory_space<hbm>> -> memref<128x64xf32, #tpu.memory_space<hbm>>
    %dma_wait3A_542 = arith.constant 0 : i32
    %dma_wait3A_543 = arith.constant 0 : i32
    %dma_wait3A_544 = tpu.memref_slice %arg4[%dma_wait3A_542, %dma_wait3A_533, %dma_wait3A_543] : memref<4096x200x128xf32, #tpu.memory_space<hbm>> -> memref<128x1x64xf32, #tpu.memory_space<hbm>>
    %dma_wait3A_545 = tpu.memref_squeeze %dma_wait3A_544 : memref<128x1x64xf32, #tpu.memory_space<hbm>> -> memref<128x64xf32, #tpu.memory_space<hbm>>
    %dma_wait3A_546 = arith.constant 0 : i32
    %dma_wait3A_547 = arith.constant 0 : i32
    %dma_wait3A_548 = tpu.memref_slice %arg6[%dma_wait3A_531, %dma_wait3A_532, %dma_wait3A_546, %dma_wait3A_547] : memref<2x4x128x64xf32, #tpu.memory_space<vmem>> -> memref<1x1x128x64xf32, #tpu.memory_space<vmem>>
    %dma_wait3A_549 = tpu.memref_squeeze %dma_wait3A_548 : memref<1x1x128x64xf32, #tpu.memory_space<vmem>> -> memref<128x64xf32, #tpu.memory_space<vmem>>
    tpu.wait_dma2 semaphore(%arg10 : memref<!tpu.dma_semaphore, #tpu.memory_space<semaphore_mem>>) src(%dma_wait3A_549 : memref<128x64xf32, #tpu.memory_space<vmem>>) dst(%dma_wait3A_545 : memref<128x64xf32, #tpu.memory_space<hbm>>)
    %dma_wait3A_550 = arith.constant 1 : i32
    %dma_wait3A_551 = arith.constant 2 : i32
    %dma_wait3A_552 = arith.constant 0 : i32
    %dma_wait3A_553 = arith.constant 0 : i32
    %dma_wait3A_554 = arith.constant 0 : i32
    %dma_wait3A_555 = tpu.memref_slice %arg6[%dma_wait3A_550, %dma_wait3A_551, %dma_wait3A_553, %dma_wait3A_554] : memref<2x4x128x64xf32, #tpu.memory_space<vmem>> -> memref<1x1x128x64xf32, #tpu.memory_space<vmem>>
    %dma_wait3A_556 = tpu.memref_squeeze %dma_wait3A_555 : memref<1x1x128x64xf32, #tpu.memory_space<vmem>> -> memref<128x64xf32, #tpu.memory_space<vmem>>
    %dma_wait3A_557 = arith.constant 0 : i32
    %dma_wait3A_558 = arith.constant 0 : i32
    %dma_wait3A_559 = tpu.memref_slice %arg4[%dma_wait3A_557, %dma_wait3A_552, %dma_wait3A_558] : memref<4096x200x128xf32, #tpu.memory_space<hbm>> -> memref<128x1x64xf32, #tpu.memory_space<hbm>>
    %dma_wait3A_560 = tpu.memref_squeeze %dma_wait3A_559 : memref<128x1x64xf32, #tpu.memory_space<hbm>> -> memref<128x64xf32, #tpu.memory_space<hbm>>
    %dma_wait3A_561 = arith.constant 0 : i32
    %dma_wait3A_562 = arith.constant 0 : i32
    %dma_wait3A_563 = tpu.memref_slice %arg4[%dma_wait3A_561, %dma_wait3A_552, %dma_wait3A_562] : memref<4096x200x128xf32, #tpu.memory_space<hbm>> -> memref<128x1x64xf32, #tpu.memory_space<hbm>>
    %dma_wait3A_564 = tpu.memref_squeeze %dma_wait3A_563 : memref<128x1x64xf32, #tpu.memory_space<hbm>> -> memref<128x64xf32, #tpu.memory_space<hbm>>
    %dma_wait3A_565 = arith.constant 0 : i32
    %dma_wait3A_566 = arith.constant 0 : i32
    %dma_wait3A_567 = tpu.memref_slice %arg6[%dma_wait3A_550, %dma_wait3A_551, %dma_wait3A_565, %dma_wait3A_566] : memref<2x4x128x64xf32, #tpu.memory_space<vmem>> -> memref<1x1x128x64xf32, #tpu.memory_space<vmem>>
    %dma_wait3A_568 = tpu.memref_squeeze %dma_wait3A_567 : memref<1x1x128x64xf32, #tpu.memory_space<vmem>> -> memref<128x64xf32, #tpu.memory_space<vmem>>
    tpu.wait_dma2 semaphore(%arg10 : memref<!tpu.dma_semaphore, #tpu.memory_space<semaphore_mem>>) src(%dma_wait3A_568 : memref<128x64xf32, #tpu.memory_space<vmem>>) dst(%dma_wait3A_564 : memref<128x64xf32, #tpu.memory_space<hbm>>)
    %dma_wait3A_569 = arith.constant 1 : i32
    %dma_wait3A_570 = arith.constant 3 : i32
    %dma_wait3A_571 = arith.constant 0 : i32
    %dma_wait3A_572 = arith.constant 0 : i32
    %dma_wait3A_573 = arith.constant 0 : i32
    %dma_wait3A_574 = tpu.memref_slice %arg6[%dma_wait3A_569, %dma_wait3A_570, %dma_wait3A_572, %dma_wait3A_573] : memref<2x4x128x64xf32, #tpu.memory_space<vmem>> -> memref<1x1x128x64xf32, #tpu.memory_space<vmem>>
    %dma_wait3A_575 = tpu.memref_squeeze %dma_wait3A_574 : memref<1x1x128x64xf32, #tpu.memory_space<vmem>> -> memref<128x64xf32, #tpu.memory_space<vmem>>
    %dma_wait3A_576 = arith.constant 0 : i32
    %dma_wait3A_577 = arith.constant 0 : i32
    %dma_wait3A_578 = tpu.memref_slice %arg4[%dma_wait3A_576, %dma_wait3A_571, %dma_wait3A_577] : memref<4096x200x128xf32, #tpu.memory_space<hbm>> -> memref<128x1x64xf32, #tpu.memory_space<hbm>>
    %dma_wait3A_579 = tpu.memref_squeeze %dma_wait3A_578 : memref<128x1x64xf32, #tpu.memory_space<hbm>> -> memref<128x64xf32, #tpu.memory_space<hbm>>
    %dma_wait3A_580 = arith.constant 0 : i32
    %dma_wait3A_581 = arith.constant 0 : i32
    %dma_wait3A_582 = tpu.memref_slice %arg4[%dma_wait3A_580, %dma_wait3A_571, %dma_wait3A_581] : memref<4096x200x128xf32, #tpu.memory_space<hbm>> -> memref<128x1x64xf32, #tpu.memory_space<hbm>>
    %dma_wait3A_583 = tpu.memref_squeeze %dma_wait3A_582 : memref<128x1x64xf32, #tpu.memory_space<hbm>> -> memref<128x64xf32, #tpu.memory_space<hbm>>
    %dma_wait3A_584 = arith.constant 0 : i32
    %dma_wait3A_585 = arith.constant 0 : i32
    %dma_wait3A_586 = tpu.memref_slice %arg6[%dma_wait3A_569, %dma_wait3A_570, %dma_wait3A_584, %dma_wait3A_585] : memref<2x4x128x64xf32, #tpu.memory_space<vmem>> -> memref<1x1x128x64xf32, #tpu.memory_space<vmem>>
    %dma_wait3A_587 = tpu.memref_squeeze %dma_wait3A_586 : memref<1x1x128x64xf32, #tpu.memory_space<vmem>> -> memref<128x64xf32, #tpu.memory_space<vmem>>
    tpu.wait_dma2 semaphore(%arg10 : memref<!tpu.dma_semaphore, #tpu.memory_space<semaphore_mem>>) src(%dma_wait3A_587 : memref<128x64xf32, #tpu.memory_space<vmem>>) dst(%dma_wait3A_583 : memref<128x64xf32, #tpu.memory_space<hbm>>)
    return
  }
}

</mosaic_0001>

<sc_bundles>
// kernel: kernel.3.cloned.1.call-start
scs
__scs_entry_jumppad:
0x0: {  	(pc) =	sbr.rel $0x88, $3  }
0x1: {  	(tag) =	ssettag $0x0;
	lr =	simm.s32 $0x1  }
0x2: {  	[smem:$0x3F9F] =	sst lr;
	_ =	strace $0xD0000000  }
0x3: {  	_ = 	snop  }
0x4: {  	_ = 	snop  }
0x5: {  	_ = 	snop  }
0x6: {  	_ = 	snop  }
0x7: {  	_ = 	snop  }
__scs_overlays_trampoline_lowered:
0x8: {  	[smem:$0x3FAE] =	sst s0  }
0x9: {  	[smem:$0x3FAF] =	sst s1  }
0xa: {  	[smem:$0x3FB0] =	sst s2  }
0xb: {  	[smem:$0x3FB1] =	sst s3  }
0xc: {  	[smem:$0x3FB2] =	sst s4  }
0xd: {  	[smem:$0x3FB3] =	sst s5  }
0xe: {  	[smem:$0x3FB4] =	sst s6  }
0xf: {  	[smem:$0x3FB5] =	sst s7  }
0x10: {  	[smem:$0x3FB6] =	sst s8  }
0x11: {  	[smem:$0x3FB7] =	sst s9;
	s0 =	simm.s32 @!p0 $0x0  }
0x12: {  	s1 =	sld [smem:$0x3F9D];
	s0 =	simm.s32 @p0 $0x1  }
0x13: {  	[smem:$0x3FB8] =	sst s0;
	s0 =	simm.s32 @!p1 $0x0  }
0x14: {  	s2 =	sld [smem:$0x3F9C];
	s0 =	simm.s32 @p1 $0x1  }
0x15: {  	[smem:$0x3FB9] =	sst s0;
	s0 =	simm.s32 @!p2 $0x0  }
0x16: {  	s3 =	sld [smem:$0x3FDB];
	s0 =	simm.s32 @p2 $0x1  }
0x17: {  	s4 =	simm.s32 $0x1BF5;
	[smem:$0x3FBB] =	sst s0  }
0x18: {  	s0 =	sld [smem:$0x3F9E];
	_ =	swait.ge [sflag:s4], $0x0  }
0x19: {  	s7 =	sld [smem:$0x3F9F]  }
0x1a: {  	s8 =	sadd.s32 $0xFFFFE003, lr  }
0x1b: {  	s9 =	sadd.s32 $0xFFFFFEF7, lr;
	s5 =	simm.s32 $0xFFFFFFFF;
	p2 =	slt.u32 s8, $0xFFFFF086  }
0x1c: {  	p1 =	slt.u32 s9, $0xF7A;
	s5 =	simm.s32 @!p2 $0x0  }
0x1d: {  	s5 =	simm.s32 @p1 $0x1;
	p0 =	seq.s32 s7, s2  }
0x1e: {  	s7 =	smul.u32 @!p0 $0xF7A, s2;
	p2 =	seq.s32 @!p0 s5, $0x0  }
0x1f: {  	s9 =	smul.u32 $0xF7A, s1;
	s8 =	simm.s32 @!p0 $0x1BF5;
	p2 =	por !p2, p0  }
0x20: {  	[sflag:s8] =	ssyncset.s32 @!p0 $0xFFFFF086;
	s6 =	sadd.s32 @!p0 s3, s7;
	s7 =	simm.s32 @!p0 $0x108  }
0x21: {  	s3 =	sadd.s32 s3, s9;
	s6 =	sadd.s32 @!p0 $0x88, s6;
	s7 =	simm.s32 @p2 $0x1082  }
0x22: {  	[simem:s7], [sflag:s8] =	dma.local @!p0 [hbm:s6], $0xF7A  }
0x23: {  	s9 =	sor.u32 $0xD0000000, s2;
	s6 =	simm.s32 $0x108;
	_ =	swait.ge @!p0 [sflag:s8], $0x0  }
0x24: {  	s3 =	sadd.s32 $0x88, s3;
	s6 =	simm.s32 @!p1 $0x1082;
	[sflag:s4] =	ssyncset.s32 $0xFFFFF086  }
0x25: {  	[simem:s6], [sflag:s4] =	dma.local [hbm:s3], $0xF7A  }
0x26: {  	[smem:$0x3F9F] =	sst s1;
	(tag) =	ssettag s2;
	_ =	strace s9  }
0x27: {  	s1 =	sld [smem:$0x3FAF]  }
0x28: {  	s2 =	sld [smem:$0x3FB0]  }
0x29: {  	s4 =	sld [smem:$0x3FB2]  }
0x2a: {  	p0 =	seq.s32 s5, $0x0;
	s5 =	sld [smem:$0x3FB3]  }
0x2b: {  	s6 =	sld [smem:$0x3FB4]  }
0x2c: {  	s7 =	sld [smem:$0x3FB5]  }
0x2d: {  	s3 =	simm.s32 $0x108;
	s8 =	sld [smem:$0x3FB6]  }
0x2e: {  	s3 =	simm.s32 @!p0 $0x1082;
	s9 =	sld [smem:$0x3FB7]  }
0x2f: {  	lr =	sadd.s32 s0, s3;
	s0 =	sld [smem:$0x3FAE]  }
0x30: {  	s3 =	sld [smem:$0x3FB1]  }
0x31: {  	[smem:$0x3FBA] =	sst s10  }
0x32: {  	s10 =	sld [smem:$0x3FB8];
	_ =	sdelay $0x3  }
0x33: {  	p0 =	seq.s32 s10, $0x1;
	s10 =	sld [smem:$0x3FBA];
	_ =	sdelay $0x3  }
0x34: {  	[smem:$0x3FBA] =	sst s10  }
0x35: {  	s10 =	sld [smem:$0x3FB9];
	_ =	sdelay $0x3  }
0x36: {  	p1 =	seq.s32 s10, $0x1;
	s10 =	sld [smem:$0x3FBA];
	_ =	sdelay $0x3  }
0x37: {  	[smem:$0x3FBA] =	sst s10  }
0x38: {  	s10 =	sld [smem:$0x3FBB]  }
0x39: {  	_ = 	snop;
	(pc) =	sbr.ind lr, $3  }
0x3a: {  	_ = 	snop  }
0x3b: {  	_ = 	snop  }
0x3c: {  	p2 =	seq.s32 s10, $0x1;
	s10 =	sld [smem:$0x3FBA]  }
0x3d: {  	_ =	shalt  }
0x3e: {  	_ =	shalt  }
0x3f: {  	_ =	shalt  }
0x40: {  	_ =	shalt  }
0x41: {  	_ =	shalt  }
0x42: {  	_ =	shalt  }
0x43: {  	_ =	shalt  }
0x44: {  	_ =	shalt  }
0x45: {  	_ =	shalt  }
0x46: {  	_ =	shalt  }
0x47: {  	_ =	shalt  }
0x48: {  	_ =	shalt  }
0x49: {  	_ =	shalt  }
0x4a: {  	_ =	shalt  }
0x4b: {  	_ =	shalt  }
0x4c: {  	_ =	shalt  }
0x4d: {  	_ =	shalt  }
0x4e: {  	_ =	shalt  }
0x4f: {  	_ =	shalt  }
0x50: {  	_ =	shalt  }
0x51: {  	_ =	shalt  }
0x52: {  	_ =	shalt  }
0x53: {  	_ =	shalt  }
0x54: {  	_ =	shalt  }
0x55: {  	_ =	shalt  }
0x56: {  	_ =	shalt  }
0x57: {  	_ =	shalt  }
0x58: {  	_ =	shalt  }
0x59: {  	_ =	shalt  }
0x5a: {  	_ =	shalt  }
0x5b: {  	_ =	shalt  }
0x5c: {  	_ =	shalt  }
0x5d: {  	_ =	shalt  }
0x5e: {  	_ =	shalt  }
0x5f: {  	_ =	shalt  }
0x60: {  	_ =	shalt  }
0x61: {  	_ =	shalt  }
0x62: {  	_ =	shalt  }
0x63: {  	_ =	shalt  }
0x64: {  	_ =	shalt  }
0x65: {  	_ =	shalt  }
0x66: {  	_ =	shalt  }
0x67: {  	_ =	shalt  }
0x68: {  	_ =	shalt  }
0x69: {  	_ =	shalt  }
0x6a: {  	_ =	shalt  }
0x6b: {  	_ =	shalt  }
0x6c: {  	_ =	shalt  }
0x6d: {  	_ =	shalt  }
0x6e: {  	_ =	shalt  }
0x6f: {  	_ =	shalt  }
0x70: {  	_ =	shalt  }
0x71: {  	_ =	shalt  }
0x72: {  	_ =	shalt  }
0x73: {  	_ =	shalt  }
0x74: {  	_ =	shalt  }
0x75: {  	_ =	shalt  }
0x76: {  	_ =	shalt  }
0x77: {  	_ =	shalt  }
0x78: {  	_ =	shalt  }
0x79: {  	_ =	shalt  }
0x7a: {  	_ =	shalt  }
0x7b: {  	_ =	shalt  }
0x7c: {  	_ =	shalt  }
0x7d: {  	_ =	shalt  }
0x7e: {  	_ =	shalt  }
0x7f: {  	_ =	shalt  }
0x80: {  	_ =	shalt  }
0x81: {  	_ =	shalt  }
0x82: {  	_ =	shalt  }
0x83: {  	_ =	shalt  }
0x84: {  	_ =	shalt  }
0x85: {  	_ =	shalt  }
0x86: {  	_ =	shalt  }
0x87: {  	_ =	shalt  }
.Lfunc_end0:
.L_simem_size_0:
called_computation.1_lowered:
.L_overlay_start_0:
0x88: {  	s2 =	sld [smem:$0x3FD9]  }
0x89: {  	s3 =	sld [smem:$0x3FFE];
	_ =	sdelay $0x1  }
0x8a: {  	s1 =	srdreg.scid  }
0x8b: {  	s0 =	sand.u32 $0x1, s1  }
0x8c: {  	s17 =	sshll.u32 s0, $0xA;
	s2 =	sadd.s32 s3, s2  }
0x8d: {  	s2 =	sadd.s32 s2, s17  }
0x8e: {  	[smem:$0x3FC6] =	sst s2  }
0x8f: {  	_ = 	snop  }
0x90: {  	s2 =	sld [smem:$0x3FC9];
	(tm) =	ssettm $0x1  }
0x91: {  	s18 =	sld [smem:$0x3FFB];
	_ =	sdelay $0x3  }
0x92: {  	_ =	strace s18  }
0x93: {  	s3 =	sld [smem:$0x3FFC];
	_ =	sdelay $0x3  }
0x94: {  	_ =	strace s3  }
0x95: {  	s3 =	sld [smem:$0x3FFD];
	_ =	sdelay $0x3  }
0x96: {  	_ =	strace s3  }
0x97: {  	_ =	strace $0x8FFFFFFF  }
0x98: {  	s19 =	sld [smem:$0x3FDB];
	_ =	sdelay $0x1  }
0x99: {  	s4 =	simm.s32 $_scs_section_size  }
0x9a: {  	s5 =	simm.s32 $_size__tile_overlayer_lowered;
	s6 =	simm.s32 $_tile_overlayer_lowered  }
0x9b: {  	s22 =	simm.s32 $0x1BFF;
	s21 =	sshll.u32 s6, $0x1;
	s3 =	sadd.s32 s4, s19  }
0x9c: {  	s7 =	simm.s32 $0x0;
	s20 =	sshll.u32 s5, $0x1;
	s5 =	sadd.s32 s21, s3  }
0x9d: {  	[timem:s7], [sflag:s22] =	dma.local [hbm:s5], s20  }
0x9e: {  	_ =	swait.ge [sflag:s22], s20  }
0x9f: {  	s4 =	ssub.s32 $0x0, s20;
	[sflag:s22] =	ssyncset.done $0x0  }
0xa0: {  	[sflag:s22] =	ssyncadd.s32 s4;
	_ =	sdelay $0x1  }
0xa1: {  	s23 =	simm.s32 $0x1B8B  }
0xa2: {  	_ =	swait.ge [sflag:s23], $0x1  }
0xa3: {  	[sflag:s23] =	ssyncset.done $0x0  }
0xa4: {  	s25 =	simm.s32 $0x1B8E;
	s24 =	sld [smem:$0x3FFE];
	[sflag:s23] =	ssyncadd.s32 $0xFFFFFFFF  }
0xa5: {  	s26 =	simm.s32 $execute0_lowered;
	[smem:$0x3FD2] =	sst s25  }
0xa6: {  	s5 =	sshll.u32 s26, $0x1;
	_ =	strace $0x80000046;
	[dreg:$0x1] =	wrdreg $0xFFFFFFFF  }
0xa7: {  	s28 =	simm.s32 $_size_execute0_lowered;
	s3 =	sadd.s32 s3, s5;
	[dreg:$0x0] =	wrdreg $0x0  }
0xa8: {  	s5 =	sshll.u32 s28, $0x1;
	[dreg:$0x2] =	wrdreg s3  }
0xa9: {  	[dreg:$0x3] =	wrdreg s5  }
0xaa: {  	[dreg:$0x4] =	wrdreg $0xC0  }
0xab: {  	_ =	task [dreg:s7], $0x5FFFF  }
0xac: {  	[dreg:$0x1] =	wrdreg $0xFFFFFFFF  }
0xad: {  	[dreg:$0x0] =	wrdreg $0x60  }
0xae: {  	[dreg:$0x2] =	wrdreg s2  }
0xaf: {  	[dreg:$0x3] =	wrdreg s24  }
0xb0: {  	[dreg:$0x4] =	wrdreg $0x9  }
0xb1: {  	_ =	task.clear_ibuf [dreg:s7], $0x5FFFF;
	_ =	strace $0x90000046  }
0xb2: {  	s29 =	simm.s32 $0x9;
	_ =	strace $0x80000048  }
0xb3: {  	_ =	swait.ge [sflag:s29], $0x1  }
0xb4: {  	[sflag:s29] =	ssyncadd.s32 $0xFFFFFFFF  }
0xb5: {  	_ =	strace $0x90000048  }
0xb6: {  	_ =	sfence  }
0xb7: {  	s30 =	sld [smem:$0x0];
	_ =	sdelay $0x2  }
0xb8: {  	s31 =	sshll.u32 s1, $0xD;
	s1 =	sshrl.u32 s1, $0x2  }
0xb9: {  	s3 =	sand.u32 $0x4000, s31;
	s1 =	sadd.s32 s1, s30  }
0xba: {  	s0 =	sor.u32 s3, s0;
	s1 =	sshll.u32 s1, $0x11  }
0xbb: {  	s0 =	sor.u32 s1, s0  }
0xbc: {  	s0 =	sadd.s32 $0x8F2B, s0  }
0xbd: {  	[sflag:s0] =	ssyncadd.remote.s32 $0x1  }
0xbe: {  	_ =	sfence.sel $0xFFFF  }
0xbf: {  	[dreg:$0x0] =	wrdreg $0xFFFFFFFF;
	(pc) =	sbr.abs _section_cstart, $3  }
0xc0: {  	[dreg:$0x1] =	wrdreg $0xFFFFFFFF  }
0xc1: {  	_ =	task.clear_ibuf [dreg:s7], $0x2FFFF;
	_ =	strace $0x9FFFFFFF  }
0xc2: {  	(tm) =	ssettm $0x7FFFFFFF  }
0xc3: {  	_ =	shalt  }
tec
execute0_lowered:
.L_overlay_start_1:
0x0: {  	(tag) =	ssettag $0x1  }
0x1: {  	s0 =	srdreg.scid;
	s1 =	rddreg [dreg:$0x0]  }
0x2: {  	s10 =	stileid.u32;
	s4 =	rddreg [dreg:$0x1]  }
0x3: {  	s3 =	simm.s32 $0x0;
	s28 =	simm.s32 $0xE400;
	s30 =	simm.s32 $0x10400  }
0x4: {  	s29 =	simm.s32 $0x3;
	s31 =	simm.s32 $0x2;
	s22 =	smul.u32 $0x32, s10  }
0x5: {  	s0 =	sand.u32 $0x1, s0;
	s2 =	sshll.u32 s10, $0x1;
	s25 =	smul.u32 $0x9C40000, s10  }
0x6: {  	[smem:$0x7FF] =	sst s3;
	s2 =	sor.u32 s0, s2;
	s24 =	smul.u32 $0x19, s0  }
0x7: {  	s3 =	sadd.s32 $0xF42C00, s4;
	s4 =	sadd.s32 $0x800, s4;
	s5 =	smul.u32 $0x19, s2  }
0x8: {  	_ =	strace $0x80000047;
	s7 =	ssub.s32 $0x2, s0;
	s0 =	smul.u32 $0x4E20000, s0  }
0x9: {  	s2 =	smul.u32 $0xC80, s2;
	s9 =	sshrl.u32 s7, $0x1;
	s6 =	sshrl.u32 s5, $0x5  }
0xa: {  	s7 =	ssub.s32 s7, s9;
	s5 =	sadd.s32 $0x18, s5;
	s8 =	sshll.u32 s6, $0xC  }
0xb: {  	s1 =	sadd.s32 s1, s2;
	s11 =	sshrl.u32 s5, $0x5;
	s8 =	ssub.s32 s2, s8  }
0xc: {  	s5 =	sshll.u32 s5, $0x7;
	s12 =	sshll.u32 s11, $0xC;
	s8 =	smul.u32 $0x6400, s8  }
0xd: {  	[dreg:$0x3] =	wrdreg s1;
	s9 =	sshll.u32 s6, $0xA;
	s5 =	ssub.s32 s5, s12  }
0xe: {  	s2 =	sshll.u32 s11, $0xA;
	s5 =	smul.u32 $0x6400, s5;
	s1 =	sor.u32 s9, s8  }
0xf: {  	s8 =	sshrl.u32 s1, $0x3;
	s13 =	sor.u32 $0x80, s1;
	s16 =	sor.u32 $0x100, s1  }
0x10: {  	s1 =	sor.u32 $0x180, s1;
	s2 =	sadd.s32 s2, s5;
	s14 =	sadd.s32 s4, s8  }
0x11: {  	s15 =	sshrl.u32 s13, $0x3;
	s1 =	sshrl.u32 s1, $0x3;
	s18 =	sor.u32 $0x200, s2  }
0x12: {  	s20 =	sor.u32 $0x280, s2;
	s23 =	sor.u32 $0x300, s2;
	s2 =	sor.u32 $0x380, s2  }
0x13: {  	[dreg:$0x4] =	wrdreg s14;
	s6 =	sadd.s32 s4, s15;
	s1 =	sadd.s32 s4, s1  }
0x14: {  	s19 =	sshrl.u32 s18, $0x3;
	s21 =	sshrl.u32 s20, $0x3;
	s26 =	sshrl.u32 s2, $0x3  }
0x15: {  	s14 =	smax.u32 s7, $0x1;
	s15 =	sadd.s32 s24, s22;
	s18 =	simm.s32 $0x5  }
0x16: {  	s20 =	simm.s32 $0x6400;
	s22 =	simm.s32 $0x14400;
	s24 =	simm.s32 $0x1  }
0x17: {  	s2 =	simm.s32 $0x0;
	[dreg:$0x5] =	wrdreg s6;
	s6 =	sshrl.u32 s16, $0x3  }
0x18: {  	[dreg:$0x7] =	wrdreg s1;
	s1 =	sadd.s32 s4, s19;
	s8 =	sadd.s32 $0x1, s15  }
0x19: {  	s19 =	simm.s32 $0x80;
	s17 =	sadd.s32 s4, s6;
	[dreg:$0x8] =	wrdreg s1  }
0x1a: {  	s1 =	sadd.s32 s4, s21;
	s21 =	simm.s32 $0x8400;
	[dreg:$0x6] =	wrdreg s17  }
0x1b: {  	[dreg:$0x9] =	wrdreg s1;
	s1 =	sshrl.u32 s23, $0x3;
	s17 =	sadd.s32 s0, s25  }
0x1c: {  	s23 =	simm.s32 $0xA400;
	s25 =	simm.s32 $0xC400;
	s1 =	sadd.s32 s4, s1  }
0x1d: {  	s0 =	simm.s32 $0x4;
	[dreg:$0xa] =	wrdreg s1;
	s1 =	sadd.s32 s4, s26  }
0x1e: {  	s26 =	simm.s32 $0x40;
	[dreg:$0xb] =	wrdreg s1;
	s1 =	simm.s32 $0x12400  }
.LBB2_1:
0x1f: {  	s5 =	simm.s32 $0x0;
	s6 =	rddreg [dreg:$0x3]  }
0x20: {  	[tilespmem:s5], [sflag:$0x5] =	stream.linear.gather [hbm4b:s6+s5], $0x6400, $0x38;
	[tilespmem:$0x16400] =	vst v63  }
0x21: {  	_ =	swait.ge [sflag:s18], $0x6400  }
0x22: {  	[sflag:s18] =	ssyncset.done $0x0  }
0x23: {  	[sflag:s18] =	ssyncadd.s32 $0xFFFF9C00  }
0x24: {  	[tilespmem:s20], [sflag:$0x1] =	stream.indirect.gather [hbm4b:s3+s19], $0x40, s5, s19, $0xb8;
	[tilespmem:$0x16400] =	vst v63  }
0x25: {  	_ = 	snop  }
0x26: {  	[tilespmem:s21], [sflag:$0x1] =	stream.indirect.gather [hbm4b:s3+s19], $0x40, s19, s19, $0xb8;
	[tilespmem:$0x16400] =	vst v63  }
0x27: {  	s6 =	simm.s32 $0x100  }
0x28: {  	[tilespmem:s23], [sflag:$0x1] =	stream.indirect.gather [hbm4b:s3+s19], $0x40, s6, s19, $0xb8;
	[tilespmem:$0x16400] =	vst v63  }
0x29: {  	s7 =	simm.s32 $0x180  }
0x2a: {  	[tilespmem:s25], [sflag:$0x1] =	stream.indirect.gather [hbm4b:s3+s19], $0x40, s7, s19, $0xb8;
	[tilespmem:$0x16400] =	vst v63  }
0x2b: {  	s9 =	simm.s32 $0x200  }
0x2c: {  	[tilespmem:s28], [sflag:$0x2] =	stream.indirect.gather [hbm4b:s3+s19], $0x40, s9, s19, $0xb8;
	[tilespmem:$0x16400] =	vst v63  }
0x2d: {  	s10 =	simm.s32 $0x280  }
0x2e: {  	[tilespmem:s30], [sflag:$0x2] =	stream.indirect.gather [hbm4b:s3+s19], $0x40, s10, s19, $0xb8;
	[tilespmem:$0x16400] =	vst v63  }
0x2f: {  	s11 =	simm.s32 $0x300  }
0x30: {  	[tilespmem:s1], [sflag:$0x2] =	stream.indirect.gather [hbm4b:s3+s19], $0x40, s11, s19, $0xb8;
	[tilespmem:$0x16400] =	vst v63  }
0x31: {  	s12 =	simm.s32 $0x380  }
0x32: {  	[tilespmem:s22], [sflag:$0x2] =	stream.indirect.gather [hbm4b:s3+s19], $0x40, s12, s19, $0xb8;
	[tilespmem:$0x16400] =	vst v63  }
0x33: {  	_ =	swait.ge [sflag:s24], $0x2000  }
0x34: {  	[sflag:s24] =	ssyncset.done $0x0  }
0x35: {  	[sflag:s24] =	ssyncadd.s32 $0xFFFFE000  }
0x36: {  	_ =	swait.ge [sflag:s24], $0x2000  }
0x37: {  	[sflag:s24] =	ssyncset.done $0x0  }
0x38: {  	[sflag:s24] =	ssyncadd.s32 $0xFFFFE000  }
0x39: {  	_ =	swait.ge [sflag:s24], $0x2000  }
0x3a: {  	[sflag:s24] =	ssyncset.done $0x0  }
0x3b: {  	[sflag:s24] =	ssyncadd.s32 $0xFFFFE000  }
0x3c: {  	_ =	swait.ge [sflag:s24], $0x2000  }
0x3d: {  	[sflag:s24] =	ssyncset.done $0x0  }
0x3e: {  	s13 =	rddreg [dreg:$0x4];
	[sflag:s24] =	ssyncadd.s32 $0xFFFFE000  }
0x3f: {  	[hbm4b:s13+s26] =	stream.strided.scatter [tilespmem:s20], [sflag:$0x3], $0x2000, s20, s26, $0x38;
	[tilespmem:$0x16400] =	vst v63  }
0x40: {  	s16 =	rddreg [dreg:$0x5]  }
0x41: {  	[hbm4b:s16+s26] =	stream.strided.scatter [tilespmem:s21], [sflag:$0x3], $0x2000, s20, s26, $0x38;
	[tilespmem:$0x16400] =	vst v63  }
0x42: {  	s6 =	rddreg [dreg:$0x6]  }
0x43: {  	[hbm4b:s6+s26] =	stream.strided.scatter [tilespmem:s23], [sflag:$0x3], $0x2000, s20, s26, $0x38;
	[tilespmem:$0x16400] =	vst v63  }
0x44: {  	s7 =	rddreg [dreg:$0x7]  }
0x45: {  	[hbm4b:s7+s26] =	stream.strided.scatter [tilespmem:s25], [sflag:$0x3], $0x2000, s20, s26, $0x38;
	[tilespmem:$0x16400] =	vst v63  }
0x46: {  	_ =	swait.ge [sflag:s29], $0x2000  }
0x47: {  	[sflag:s29] =	ssyncset.done $0x0  }
0x48: {  	[sflag:s29] =	ssyncadd.s32 $0xFFFFE000  }
0x49: {  	_ =	swait.ge [sflag:s29], $0x2000  }
0x4a: {  	[sflag:s29] =	ssyncset.done $0x0  }
0x4b: {  	[sflag:s29] =	ssyncadd.s32 $0xFFFFE000  }
0x4c: {  	_ =	swait.ge [sflag:s29], $0x2000  }
0x4d: {  	[sflag:s29] =	ssyncset.done $0x0  }
0x4e: {  	[sflag:s29] =	ssyncadd.s32 $0xFFFFE000  }
0x4f: {  	_ =	swait.ge [sflag:s29], $0x2000  }
0x50: {  	[sflag:s29] =	ssyncset.done $0x0  }
0x51: {  	s9 =	simm.s32 $0x400;
	[sflag:s29] =	ssyncadd.s32 $0xFFFFE000  }
0x52: {  	[tilespmem:s20], [sflag:$0x1] =	stream.indirect.gather [hbm4b:s3+s19], $0x40, s9, s19, $0xb8;
	[tilespmem:$0x16400] =	vst v63  }
0x53: {  	s10 =	simm.s32 $0x480  }
0x54: {  	[tilespmem:s21], [sflag:$0x1] =	stream.indirect.gather [hbm4b:s3+s19], $0x40, s10, s19, $0xb8;
	[tilespmem:$0x16400] =	vst v63  }
0x55: {  	s11 =	simm.s32 $0x500  }
0x56: {  	[tilespmem:s23], [sflag:$0x1] =	stream.indirect.gather [hbm4b:s3+s19], $0x40, s11, s19, $0xb8;
	[tilespmem:$0x16400] =	vst v63  }
0x57: {  	s12 =	simm.s32 $0x580  }
0x58: {  	[tilespmem:s25], [sflag:$0x1] =	stream.indirect.gather [hbm4b:s3+s19], $0x40, s12, s19, $0xb8;
	[tilespmem:$0x16400] =	vst v63  }
0x59: {  	_ =	swait.ge [sflag:s31], $0x2000  }
0x5a: {  	[sflag:s31] =	ssyncset.done $0x0  }
0x5b: {  	[sflag:s31] =	ssyncadd.s32 $0xFFFFE000  }
0x5c: {  	_ =	swait.ge [sflag:s31], $0x2000  }
0x5d: {  	s13 =	sshrl.u32 s15, $0x5;
	[sflag:s31] =	ssyncset.done $0x0  }
0x5e: {  	s5 =	smul.u32 $0x63FFC00, s13;
	[sflag:s31] =	ssyncadd.s32 $0xFFFFE000  }
0x5f: {  	_ =	swait.ge [sflag:s31], $0x2000  }
0x60: {  	s5 =	ssub.s32 s17, s5;
	[sflag:s31] =	ssyncset.done $0x0  }
0x61: {  	s16 =	sadd.s32 $0x200, s5;
	[sflag:s31] =	ssyncadd.s32 $0xFFFFE000  }
0x62: {  	s6 =	sshrl.u32 s16, $0x3;
	_ =	swait.ge [sflag:s31], $0x2000  }
0x63: {  	s7 =	sadd.s32 $0x280, s5;
	s6 =	sadd.s32 s4, s6;
	[sflag:s31] =	ssyncset.done $0x0  }
0x64: {  	s7 =	sshrl.u32 s7, $0x3;
	s9 =	sadd.s32 $0x300, s5;
	[sflag:s31] =	ssyncadd.s32 $0xFFFFE000  }
0x65: {  	[hbm4b:s6+s26] =	stream.strided.scatter [tilespmem:s28], [sflag:$0x4], $0x2000, s20, s26, $0x38;
	[tilespmem:$0x16400] =	vst v63  }
0x66: {  	s7 =	sadd.s32 s4, s7;
	s5 =	sadd.s32 $0x380, s5;
	s9 =	sshrl.u32 s9, $0x3  }
0x67: {  	[hbm4b:s7+s26] =	stream.strided.scatter [tilespmem:s30], [sflag:$0x4], $0x2000, s20, s26, $0x38;
	[tilespmem:$0x16400] =	vst v63  }
0x68: {  	s5 =	sshrl.u32 s5, $0x3;
	s10 =	sadd.s32 s4, s9  }
0x69: {  	[hbm4b:s10+s26] =	stream.strided.scatter [tilespmem:s1], [sflag:$0x4], $0x2000, s20, s26, $0x38;
	[tilespmem:$0x16400] =	vst v63  }
0x6a: {  	s5 =	sadd.s32 s4, s5  }
0x6b: {  	[hbm4b:s5+s26] =	stream.strided.scatter [tilespmem:s22], [sflag:$0x4], $0x2000, s20, s26, $0x38;
	[tilespmem:$0x16400] =	vst v63  }
0x6c: {  	_ =	swait.ge [sflag:s0], $0x2000  }
0x6d: {  	[sflag:s0] =	ssyncset.done $0x0  }
0x6e: {  	[sflag:s0] =	ssyncadd.s32 $0xFFFFE000  }
0x6f: {  	_ =	swait.ge [sflag:s0], $0x2000  }
0x70: {  	[sflag:s0] =	ssyncset.done $0x0  }
0x71: {  	[sflag:s0] =	ssyncadd.s32 $0xFFFFE000  }
0x72: {  	_ =	swait.ge [sflag:s0], $0x2000  }
0x73: {  	[sflag:s0] =	ssyncset.done $0x0  }
0x74: {  	[sflag:s0] =	ssyncadd.s32 $0xFFFFE000  }
0x75: {  	_ =	swait.ge [sflag:s0], $0x2000  }
0x76: {  	[sflag:s0] =	ssyncset.done $0x0  }
0x77: {  	s11 =	simm.s32 $0x600;
	[sflag:s0] =	ssyncadd.s32 $0xFFFFE000  }
0x78: {  	[tilespmem:s28], [sflag:$0x2] =	stream.indirect.gather [hbm4b:s3+s19], $0x40, s11, s19, $0xb8;
	[tilespmem:$0x16400] =	vst v63  }
0x79: {  	s12 =	simm.s32 $0x680  }
0x7a: {  	[tilespmem:s30], [sflag:$0x2] =	stream.indirect.gather [hbm4b:s3+s19], $0x40, s12, s19, $0xb8;
	[tilespmem:$0x16400] =	vst v63  }
0x7b: {  	s13 =	simm.s32 $0x700  }
0x7c: {  	[tilespmem:s1], [sflag:$0x2] =	stream.indirect.gather [hbm4b:s3+s19], $0x40, s13, s19, $0xb8;
	[tilespmem:$0x16400] =	vst v63  }
0x7d: {  	s16 =	simm.s32 $0x780  }
0x7e: {  	[tilespmem:s22], [sflag:$0x2] =	stream.indirect.gather [hbm4b:s3+s19], $0x40, s16, s19, $0xb8;
	[tilespmem:$0x16400] =	vst v63  }
0x7f: {  	_ =	swait.ge [sflag:s24], $0x2000  }
0x80: {  	[sflag:s24] =	ssyncset.done $0x0  }
0x81: {  	[sflag:s24] =	ssyncadd.s32 $0xFFFFE000  }
0x82: {  	_ =	swait.ge [sflag:s24], $0x2000  }
0x83: {  	s6 =	sshrl.u32 s8, $0x5;
	[sflag:s24] =	ssyncset.done $0x0  }
0x84: {  	s5 =	smul.u32 $0xF9C00400, s6;
	[sflag:s24] =	ssyncadd.s32 $0xFFFFE000  }
0x85: {  	_ =	swait.ge [sflag:s24], $0x2000  }
0x86: {  	s5 =	sadd.s32 s5, s17;
	[sflag:s24] =	ssyncset.done $0x0  }
0x87: {  	s9 =	sadd.s32 $0x320080, s5;
	[sflag:s24] =	ssyncadd.s32 $0xFFFFE000  }
0x88: {  	s7 =	sadd.s32 $0x320000, s5;
	s10 =	sadd.s32 $0x320100, s5;
	_ =	swait.ge [sflag:s24], $0x2000  }
0x89: {  	s6 =	sshrl.u32 s7, $0x3;
	s7 =	sshrl.u32 s9, $0x3;
	[sflag:s24] =	ssyncset.done $0x0  }
0x8a: {  	s6 =	sadd.s32 s4, s6;
	s11 =	sadd.s32 s4, s7;
	[sflag:s24] =	ssyncadd.s32 $0xFFFFE000  }
0x8b: {  	[hbm4b:s6+s26] =	stream.strided.scatter [tilespmem:s20], [sflag:$0x3], $0x2000, s20, s26, $0x38;
	[tilespmem:$0x16400] =	vst v63  }
0x8c: {  	s7 =	sadd.s32 $0x320000, s17;
	s12 =	sshrl.u32 s10, $0x3;
	s13 =	sadd.s32 $0x320180, s5  }
0x8d: {  	[hbm4b:s11+s26] =	stream.strided.scatter [tilespmem:s21], [sflag:$0x3], $0x2000, s20, s26, $0x38;
	[tilespmem:$0x16400] =	vst v63  }
0x8e: {  	s5 =	simm.s32 $0x1000;
	s16 =	sadd.s32 s4, s12;
	s6 =	sshrl.u32 s13, $0x3  }
0x8f: {  	[hbm4b:s16+s26] =	stream.strided.scatter [tilespmem:s23], [sflag:$0x3], $0x2000, s20, s26, $0x38;
	[tilespmem:$0x16400] =	vst v63  }
0x90: {  	s9 =	sadd.s32 s4, s6;
	s6 =	sadd.s32 $0x1, s8;
	s16 =	smov.u32 s8  }
.LBB2_2:
0x91: {  	[hbm4b:s9+s26] =	stream.strided.scatter [tilespmem:s25], [sflag:$0x3], $0x2000, s20, s26, $0x38;
	[tilespmem:$0x16400] =	vst v63  }
0x92: {  	p0 =	sne.s32 s5, $0x17000;
	s9 =	smov.u32 s5;
	s5 =	sadd.s32 $0x1000, s5  }
0x93: {  	_ =	swait.ge [sflag:s29], $0x2000  }
0x94: {  	[sflag:s29] =	ssyncset.done $0x0  }
0x95: {  	[sflag:s29] =	ssyncadd.s32 $0xFFFFE000  }
0x96: {  	_ =	swait.ge [sflag:s29], $0x2000  }
0x97: {  	[sflag:s29] =	ssyncset.done $0x0  }
0x98: {  	[sflag:s29] =	ssyncadd.s32 $0xFFFFE000  }
0x99: {  	_ =	swait.ge [sflag:s29], $0x2000  }
0x9a: {  	[sflag:s29] =	ssyncset.done $0x0  }
0x9b: {  	[sflag:s29] =	ssyncadd.s32 $0xFFFFE000  }
0x9c: {  	_ =	swait.ge [sflag:s29], $0x2000  }
0x9d: {  	s9 =	sshra.s32 s9, $0x2;
	[sflag:s29] =	ssyncset.done $0x0  }
0x9e: {  	s10 =	sadd.s32 $0x400, s9;
	[sflag:s29] =	ssyncadd.s32 $0xFFFFE000  }
0x9f: {  	[tilespmem:s20], [sflag:$0x1] =	stream.indirect.gather [hbm4b:s3+s19], $0x40, s10, s19, $0xb8;
	[tilespmem:$0x16400] =	vst v63  }
0xa0: {  	s10 =	sadd.s32 $0x480, s9  }
0xa1: {  	[tilespmem:s21], [sflag:$0x1] =	stream.indirect.gather [hbm4b:s3+s19], $0x40, s10, s19, $0xb8;
	[tilespmem:$0x16400] =	vst v63  }
0xa2: {  	s10 =	sadd.s32 $0x500, s9  }
0xa3: {  	[tilespmem:s23], [sflag:$0x1] =	stream.indirect.gather [hbm4b:s3+s19], $0x40, s10, s19, $0xb8;
	[tilespmem:$0x16400] =	vst v63  }
0xa4: {  	s10 =	sadd.s32 $0x580, s9  }
0xa5: {  	[tilespmem:s25], [sflag:$0x1] =	stream.indirect.gather [hbm4b:s3+s19], $0x40, s10, s19, $0xb8;
	[tilespmem:$0x16400] =	vst v63  }
0xa6: {  	_ =	swait.ge [sflag:s31], $0x2000  }
0xa7: {  	[sflag:s31] =	ssyncset.done $0x0  }
0xa8: {  	[sflag:s31] =	ssyncadd.s32 $0xFFFFE000  }
0xa9: {  	_ =	swait.ge [sflag:s31], $0x2000  }
0xaa: {  	[sflag:s31] =	ssyncset.done $0x0  }
0xab: {  	s10 =	sshrl.u32 s16, $0x5;
	[sflag:s31] =	ssyncadd.s32 $0xFFFFE000  }
0xac: {  	s10 =	smul.u32 $0x63FFC00, s10;
	_ =	swait.ge [sflag:s31], $0x2000  }
0xad: {  	[sflag:s31] =	ssyncset.done $0x0  }
0xae: {  	s10 =	ssub.s32 s7, s10;
	[sflag:s31] =	ssyncadd.s32 $0xFFFFE000  }
0xaf: {  	s11 =	sadd.s32 $0x200, s10;
	s12 =	sadd.s32 $0x280, s10;
	_ =	swait.ge [sflag:s31], $0x2000  }
0xb0: {  	s11 =	sshrl.u32 s11, $0x3;
	s12 =	sshrl.u32 s12, $0x3;
	[sflag:s31] =	ssyncset.done $0x0  }
0xb1: {  	s13 =	sadd.s32 $0x300, s10;
	s11 =	sadd.s32 s4, s11;
	[sflag:s31] =	ssyncadd.s32 $0xFFFFE000  }
0xb2: {  	[hbm4b:s11+s26] =	stream.strided.scatter [tilespmem:s28], [sflag:$0x4], $0x2000, s20, s26, $0x38;
	[tilespmem:$0x16400] =	vst v63  }
0xb3: {  	s10 =	sadd.s32 $0x380, s10;
	s11 =	sadd.s32 s4, s12;
	s12 =	sshrl.u32 s13, $0x3  }
0xb4: {  	[hbm4b:s11+s26] =	stream.strided.scatter [tilespmem:s30], [sflag:$0x4], $0x2000, s20, s26, $0x38;
	[tilespmem:$0x16400] =	vst v63  }
0xb5: {  	s10 =	sshrl.u32 s10, $0x3;
	s11 =	sadd.s32 s4, s12  }
0xb6: {  	[hbm4b:s11+s26] =	stream.strided.scatter [tilespmem:s1], [sflag:$0x4], $0x2000, s20, s26, $0x38;
	[tilespmem:$0x16400] =	vst v63  }
0xb7: {  	s10 =	sadd.s32 s4, s10  }
0xb8: {  	[hbm4b:s10+s26] =	stream.strided.scatter [tilespmem:s22], [sflag:$0x4], $0x2000, s20, s26, $0x38;
	[tilespmem:$0x16400] =	vst v63  }
0xb9: {  	_ =	swait.ge [sflag:s0], $0x2000  }
0xba: {  	[sflag:s0] =	ssyncset.done $0x0  }
0xbb: {  	[sflag:s0] =	ssyncadd.s32 $0xFFFFE000  }
0xbc: {  	_ =	swait.ge [sflag:s0], $0x2000  }
0xbd: {  	[sflag:s0] =	ssyncset.done $0x0  }
0xbe: {  	[sflag:s0] =	ssyncadd.s32 $0xFFFFE000  }
0xbf: {  	_ =	swait.ge [sflag:s0], $0x2000  }
0xc0: {  	[sflag:s0] =	ssyncset.done $0x0  }
0xc1: {  	[sflag:s0] =	ssyncadd.s32 $0xFFFFE000  }
0xc2: {  	_ =	swait.ge [sflag:s0], $0x2000  }
0xc3: {  	[sflag:s0] =	ssyncset.done $0x0  }
0xc4: {  	s10 =	sadd.s32 $0x600, s9;
	[sflag:s0] =	ssyncadd.s32 $0xFFFFE000  }
0xc5: {  	[tilespmem:s28], [sflag:$0x2] =	stream.indirect.gather [hbm4b:s3+s19], $0x40, s10, s19, $0xb8;
	[tilespmem:$0x16400] =	vst v63  }
0xc6: {  	s10 =	sadd.s32 $0x680, s9  }
0xc7: {  	[tilespmem:s30], [sflag:$0x2] =	stream.indirect.gather [hbm4b:s3+s19], $0x40, s10, s19, $0xb8;
	[tilespmem:$0x16400] =	vst v63  }
0xc8: {  	s10 =	sadd.s32 $0x700, s9  }
0xc9: {  	[tilespmem:s1], [sflag:$0x2] =	stream.indirect.gather [hbm4b:s3+s19], $0x40, s10, s19, $0xb8;
	[tilespmem:$0x16400] =	vst v63  }
0xca: {  	s9 =	sadd.s32 $0x780, s9  }
0xcb: {  	[tilespmem:s22], [sflag:$0x2] =	stream.indirect.gather [hbm4b:s3+s19], $0x40, s9, s19, $0xb8;
	[tilespmem:$0x16400] =	vst v63  }
0xcc: {  	_ =	swait.ge [sflag:s24], $0x2000  }
0xcd: {  	[sflag:s24] =	ssyncset.done $0x0  }
0xce: {  	[sflag:s24] =	ssyncadd.s32 $0xFFFFE000  }
0xcf: {  	_ =	swait.ge [sflag:s24], $0x2000  }
0xd0: {  	s9 =	sshrl.u32 s6, $0x5;
	[sflag:s24] =	ssyncset.done $0x0  }
0xd1: {  	s9 =	smul.u32 $0xF9C00400, s9;
	[sflag:s24] =	ssyncadd.s32 $0xFFFFE000  }
0xd2: {  	_ =	swait.ge [sflag:s24], $0x2000  }
0xd3: {  	s9 =	sadd.s32 s9, s7;
	[sflag:s24] =	ssyncset.done $0x0  }
0xd4: {  	s11 =	sadd.s32 $0x320080, s9;
	[sflag:s24] =	ssyncadd.s32 $0xFFFFE000  }
0xd5: {  	s10 =	sadd.s32 $0x320000, s9;
	s12 =	sadd.s32 $0x320100, s9;
	_ =	swait.ge [sflag:s24], $0x2000  }
0xd6: {  	s10 =	sshrl.u32 s10, $0x3;
	s11 =	sshrl.u32 s11, $0x3;
	[sflag:s24] =	ssyncset.done $0x0  }
0xd7: {  	s9 =	sadd.s32 $0x320180, s9;
	s10 =	sadd.s32 s4, s10;
	[sflag:s24] =	ssyncadd.s32 $0xFFFFE000  }
0xd8: {  	[hbm4b:s10+s26] =	stream.strided.scatter [tilespmem:s20], [sflag:$0x3], $0x2000, s20, s26, $0x38;
	[tilespmem:$0x16400] =	vst v63  }
.Ltmp0:
0xd9: {  	s10 =	sadd.s32 s4, s11;
	s11 =	sshrl.u32 s12, $0x3;
	(pc) =	sbr.rel @p0 .LBB2_2-.Ltmp0, $4  }
0xda: {  	[hbm4b:s10+s26] =	stream.strided.scatter [tilespmem:s21], [sflag:$0x3], $0x2000, s20, s26, $0x38;
	[tilespmem:$0x16400] =	vst v63  }
0xdb: {  	s16 =	sadd.s32 $0x1, s16;
	s9 =	sshrl.u32 s9, $0x3;
	s10 =	sadd.s32 s4, s11  }
0xdc: {  	[hbm4b:s10+s26] =	stream.strided.scatter [tilespmem:s23], [sflag:$0x3], $0x2000, s20, s26, $0x38;
	[tilespmem:$0x16400] =	vst v63  }
0xdd: {  	s6 =	sadd.s32 $0x1, s6;
	s7 =	sadd.s32 $0x320000, s7;
	s9 =	sadd.s32 s4, s9  }
0xde: {  	[hbm4b:s9+s26] =	stream.strided.scatter [tilespmem:s25], [sflag:$0x3], $0x2000, s20, s26, $0x38;
	[tilespmem:$0x16400] =	vst v63  }
0xdf: {  	_ =	swait.ge [sflag:s31], $0x2000  }
0xe0: {  	[sflag:s31] =	ssyncset.done $0x0  }
0xe1: {  	[sflag:s31] =	ssyncadd.s32 $0xFFFFE000  }
0xe2: {  	_ =	swait.ge [sflag:s31], $0x2000  }
0xe3: {  	[sflag:s31] =	ssyncset.done $0x0  }
0xe4: {  	[sflag:s31] =	ssyncadd.s32 $0xFFFFE000  }
0xe5: {  	_ =	swait.ge [sflag:s31], $0x2000  }
0xe6: {  	[sflag:s31] =	ssyncset.done $0x0  }
0xe7: {  	[sflag:s31] =	ssyncadd.s32 $0xFFFFE000  }
0xe8: {  	_ =	swait.ge [sflag:s31], $0x2000  }
0xe9: {  	[sflag:s31] =	ssyncset.done $0x0  }
0xea: {  	s5 =	rddreg [dreg:$0x8];
	[sflag:s31] =	ssyncadd.s32 $0xFFFFE000  }
0xeb: {  	[hbm4b:s5+s26] =	stream.strided.scatter [tilespmem:s28], [sflag:$0x4], $0x2000, s20, s26, $0x38;
	[tilespmem:$0x16400] =	vst v63  }
0xec: {  	s12 =	rddreg [dreg:$0x9]  }
0xed: {  	[hbm4b:s12+s26] =	stream.strided.scatter [tilespmem:s30], [sflag:$0x4], $0x2000, s20, s26, $0x38;
	[tilespmem:$0x16400] =	vst v63  }
0xee: {  	s13 =	rddreg [dreg:$0xa]  }
0xef: {  	[hbm4b:s13+s26] =	stream.strided.scatter [tilespmem:s1], [sflag:$0x4], $0x2000, s20, s26, $0x38;
	[tilespmem:$0x16400] =	vst v63  }
0xf0: {  	s16 =	rddreg [dreg:$0xb]  }
0xf1: {  	[hbm4b:s16+s26] =	stream.strided.scatter [tilespmem:s22], [sflag:$0x4], $0x2000, s20, s26, $0x38;
	[tilespmem:$0x16400] =	vst v63  }
0xf2: {  	_ =	swait.ge [sflag:s29], $0x2000  }
0xf3: {  	[sflag:s29] =	ssyncset.done $0x0  }
0xf4: {  	[sflag:s29] =	ssyncadd.s32 $0xFFFFE000  }
0xf5: {  	_ =	swait.ge [sflag:s29], $0x2000  }
0xf6: {  	[sflag:s29] =	ssyncset.done $0x0  }
0xf7: {  	[sflag:s29] =	ssyncadd.s32 $0xFFFFE000  }
0xf8: {  	_ =	swait.ge [sflag:s29], $0x2000  }
0xf9: {  	[sflag:s29] =	ssyncset.done $0x0  }
0xfa: {  	[sflag:s29] =	ssyncadd.s32 $0xFFFFE000  }
0xfb: {  	_ =	swait.ge [sflag:s29], $0x2000  }
0xfc: {  	[sflag:s29] =	ssyncset.done $0x0  }
0xfd: {  	[sflag:s29] =	ssyncadd.s32 $0xFFFFE000  }
0xfe: {  	_ =	swait.ge [sflag:s0], $0x2000  }
0xff: {  	[sflag:s0] =	ssyncset.done $0x0  }
0x100: {  	[sflag:s0] =	ssyncadd.s32 $0xFFFFE000  }
0x101: {  	_ =	swait.ge [sflag:s0], $0x2000  }
0x102: {  	[sflag:s0] =	ssyncset.done $0x0  }
0x103: {  	s2 =	sadd.s32 $0x1, s2;
	[sflag:s0] =	ssyncadd.s32 $0xFFFFE000  }
0x104: {  	p0 =	sne.s32 s2, s14;
	_ =	swait.ge [sflag:s0], $0x2000  }
.Ltmp1:
0x105: {  	[sflag:s0] =	ssyncset.done $0x0;
	(pc) =	sbr.rel @p0 .LBB2_1-.Ltmp1, $4  }
0x106: {  	[sflag:s0] =	ssyncadd.s32 $0xFFFFE000  }
0x107: {  	_ =	swait.ge [sflag:s0], $0x2000  }
0x108: {  	[sflag:s0] =	ssyncset.done $0x0  }
0x109: {  	[sflag:s0] =	ssyncadd.s32 $0xFFFFE000  }
0x10a: {  	_ =	sfence.sel $0x180000  }
0x10b: {  	[bflag:$0x0] =	sbarrier.arrive $0xFFFF  }
0x10c: {  	_ =	strace $0x90000047  }
0x10d: {  	s0 =	stileid.u32;
	[bflag:$0x2] =	sbarrier.arrive $0xFFFF  }
0x10e: {  	p0 =	sne.s32 s0, $0x0;
	s0 =	rddreg [dreg:$0x2]  }
0x10f: {  	s0 =	sadd.s32 @!p0 $0x100000, s0  }
0x110: {  	[sflag:s0] =	ssyncadd.tile.s32 @!p0 $0x1;
	_ =	shalt  }
.Lfunc_end2:
_tile_overlayer_lowered:
.L_overlay_start_2:
0x111: {  	(tag) =	ssettag $0x2  }
0x112: {  	s0 =	rddreg [dreg:$0x0];
	s2 =	stileid.u32  }
0x113: {  	s1 =	rddreg [dreg:$0x1];
	p0 =	sne.s32 s2, $0x0  }
0x114: {  	s3 =	rddreg [dreg:$0x2];
	[bflag:$0x3] =	sbarrier.arrive $0xFFFF;
	s2 =	simm.s32 @!p0 $0x1C05  }
0x115: {  	[timem:s3], [sflag:s2] =	dma.local @!p0 [hbm:s0], s1  }
0x116: {  	s0 =	simm.s32 @!p0 $0x5  }
0x117: {  	_ =	swait.ge @!p0 [sflag:s0], s1  }
0x118: {  	s1 =	ssub.s32 @!p0 $0x0, s1;
	[sflag:s0] =	ssyncset.done @!p0 $0x0  }
0x119: {  	[sflag:s0] =	ssyncadd.s32 @!p0 s1  }
0x11a: {  	[bflag:$0x3] =	sbarrier.arrive $0xFFFF  }
0x11b: {  	_ =	shalt  }

// kernel: sparse-core-data-format-call.cloned.1.call-start
scs
called_computation_lowered:
.L_overlay_start_0:
0x0: {  	s2 =	sld [smem:$0x3FD9]  }
0x1: {  	s3 =	sld [smem:$0x3FFE];
	_ =	sdelay $0x1  }
0x2: {  	s1 =	srdreg.scid  }
0x3: {  	s0 =	sand.u32 $0x1, s1  }
0x4: {  	s18 =	sshll.u32 s0, $0xA;
	s2 =	sadd.s32 s3, s2  }
0x5: {  	s2 =	sadd.s32 s2, s18  }
0x6: {  	[smem:$0x3FC6] =	sst s2  }
0x7: {  	_ = 	snop  }
0x8: {  	s2 =	sld [smem:$0x3FD0];
	(tm) =	ssettm $0x1  }
0x9: {  	s19 =	sld [smem:$0x3FFB];
	_ =	sdelay $0x3  }
0xa: {  	_ =	strace s19  }
0xb: {  	s3 =	sld [smem:$0x3FFC];
	_ =	sdelay $0x3  }
0xc: {  	_ =	strace s3  }
0xd: {  	s3 =	sld [smem:$0x3FFD];
	_ =	sdelay $0x3  }
0xe: {  	_ =	strace s3  }
0xf: {  	_ =	strace $0x8FFFFFFF  }
0x10: {  	s20 =	sld [smem:$0x3FDB];
	_ =	sdelay $0x1  }
0x11: {  	s4 =	simm.s32 $_scs_section_size  }
0x12: {  	s5 =	simm.s32 $_size__tile_overlayer_lowered;
	s6 =	simm.s32 $_tile_overlayer_lowered  }
0x13: {  	s23 =	simm.s32 $0x1BFF;
	s22 =	sshll.u32 s6, $0x1;
	s3 =	sadd.s32 s4, s20  }
0x14: {  	s7 =	simm.s32 $0x0;
	s21 =	sshll.u32 s5, $0x1;
	s5 =	sadd.s32 s22, s3  }
0x15: {  	[timem:s7], [sflag:s23] =	dma.local [hbm:s5], s21  }
0x16: {  	_ =	swait.ge [sflag:s23], s21  }
0x17: {  	s4 =	ssub.s32 $0x0, s21;
	[sflag:s23] =	ssyncset.done $0x0  }
0x18: {  	[sflag:s23] =	ssyncadd.s32 s4;
	_ =	sdelay $0x1  }
0x19: {  	s24 =	simm.s32 $0x1B8B  }
0x1a: {  	_ =	swait.ge [sflag:s24], $0x1  }
0x1b: {  	[sflag:s24] =	ssyncset.done $0x0  }
0x1c: {  	s26 =	simm.s32 $0x1B8E;
	s25 =	sld [smem:$0x3FFE];
	[sflag:s24] =	ssyncadd.s32 $0xFFFFFFFF  }
0x1d: {  	s27 =	simm.s32 $execute0_lowered;
	[smem:$0x3FD2] =	sst s26  }
0x1e: {  	s5 =	sshll.u32 s27, $0x1;
	_ =	strace $0x80000049;
	[dreg:$0x1] =	wrdreg $0xFFFFFFFF  }
0x1f: {  	s28 =	simm.s32 $_size_execute0_lowered;
	s3 =	sadd.s32 s3, s5;
	[dreg:$0x0] =	wrdreg $0x0  }
0x20: {  	s5 =	sshll.u32 s28, $0x1;
	[dreg:$0x2] =	wrdreg s3  }
0x21: {  	[dreg:$0x3] =	wrdreg s5  }
0x22: {  	[dreg:$0x4] =	wrdreg $0xC0  }
0x23: {  	_ =	task [dreg:s7], $0x5FFFF  }
0x24: {  	[dreg:$0x1] =	wrdreg $0xFFFFFFFF  }
0x25: {  	[dreg:$0x0] =	wrdreg $0x60  }
0x26: {  	[dreg:$0x2] =	wrdreg s25  }
0x27: {  	[dreg:$0x3] =	wrdreg s2  }
0x28: {  	[dreg:$0x4] =	wrdreg $0x9  }
0x29: {  	_ =	task.clear_ibuf [dreg:s7], $0x5FFFF;
	_ =	strace $0x90000049  }
0x2a: {  	s29 =	simm.s32 $0x9;
	_ =	strace $0x8000004B  }
0x2b: {  	_ =	swait.ge [sflag:s29], $0x1  }
0x2c: {  	[sflag:s29] =	ssyncadd.s32 $0xFFFFFFFF  }
0x2d: {  	_ =	strace $0x9000004B  }
0x2e: {  	_ =	sfence  }
0x2f: {  	s30 =	sld [smem:$0x0];
	_ =	sdelay $0x2  }
0x30: {  	s31 =	sshll.u32 s1, $0xD;
	s1 =	sshrl.u32 s1, $0x2  }
0x31: {  	s3 =	sand.u32 $0x4000, s31;
	s1 =	sadd.s32 s1, s30  }
0x32: {  	s0 =	sor.u32 s3, s0;
	s1 =	sshll.u32 s1, $0x11  }
0x33: {  	s0 =	sor.u32 s1, s0  }
0x34: {  	s0 =	sadd.s32 $0x8F2B, s0  }
0x35: {  	[sflag:s0] =	ssyncadd.remote.s32 $0x1  }
0x36: {  	_ =	sfence.sel $0xFFFF  }
0x37: {  	[dreg:$0x0] =	wrdreg $0xFFFFFFFF;
	(pc) =	sbr.abs _section_cstart, $3  }
0x38: {  	[dreg:$0x1] =	wrdreg $0xFFFFFFFF  }
0x39: {  	_ =	task.clear_ibuf [dreg:s7], $0x2FFFF;
	_ =	strace $0x9FFFFFFF  }
0x3a: {  	(tm) =	ssettm $0x7FFFFFFF  }
0x3b: {  	_ =	shalt  }
tec
execute0_lowered:
.L_overlay_start_1:
0x0: {  	(tag) =	ssettag $0x1  }
0x1: {  	s0 =	srdreg.scid  }
0x2: {  	s1 =	sshll.u32 s0, $0x4  }
0x3: {  	s0 =	stileid.u32;
	s1 =	sand.u32 $0x10, s1  }
0x4: {  	s1 =	sor.u32 s0, s1  }
0x5: {  	s6 =	rddreg [dreg:$0x0];
	s4 =	simm.s32 $0x1;
	s2 =	sshll.u32 s1, $0x7  }
0x6: {  	s7 =	simm.s32 $0x2;
	s12 =	simm.s32 $0x0;
	s1 =	ssub.s32 $0x1000, s2  }
0x7: {  	s8 =	simm.s32 $0x8000;
	s13 =	simm.s32 $0x0;
	s3 =	sand.u32 $0xF80, s1  }
0x8: {  	s9 =	simm.s32 $0x0;
	s5 =	sshrl.u32 s1, $0xC;
	p0 =	sne.s32 s3, $0x0  }
.Ltmp0:
0x9: {  	s1 =	rddreg [dreg:$0x2];
	s4 =	simm.s32 @!p0 $0x0;
	(pc) =	sbr.rel .LBB1_1-.Ltmp0, $4  }
0xa: {  	s11 =	simm.s32 $0x0;
	s3 =	rddreg [dreg:$0x1];
	s5 =	sadd.s32 s4, s5  }
0xb: {  	_ =	strace $0x8000004A;
	s4 =	simm.s32 $0x1;
	s5 =	smul.u32 $0xC8, s5  }
0xc: {  	s6 =	sadd.s32 $0x800, s6;
	s10 =	smov.u32 s2;
	[sflag:s4] =	ssyncpa.u1 $0x0  }
0xd: {  	p0 =	por $0x0, $0x0;
	[sflag:s7] =	ssyncpa.u1 $0x0;
	s7 =	sor.u32 $0x1, s5  }
.LBB1_4:
0xe: {  	s16 =	sshll.u32 s13, $0x3;
	s17 =	sand.u32 $0x78, s13  }
0xf: {  	s30 =	sand.u32 $0x7E00, s13;
	s12 =	sshll.u32 s12, $0xF;
	s16 =	sand.u32 $0xC00, s16  }
0x10: {  	[tilespmem:s15+$0x810 ss:$0x81] =	vst.msk $0xffff, v2;
	s31 =	sand.u32 $0x7, s13;
	s16 =	sor.u32 s17, s16;
	s17 =	sadd.s32 s3, s30  }
0x11: {  	[tilespmem:s15+$0x1020 ss:$0x81] =	vst.msk $0xffff, v0;
	s13 =	sshll.u32 s31, $0x12;
	s12 =	sadd.s32 s12, s17;
	s16 =	sshrl.u32 s16, $0x3  }
0x12: {  	[tilespmem:s15+$0x0 ss:$0x81] =	vst.msk $0xffff, v1;
	s13 =	sor.u32 $0x400, s13;
	s12 =	sadd.s32 s16, s12  }
0x13: {  	[hbm4b:s12+s13] =	stream.strided.scatter [tilespmem:s14], [sflag:$0x2], $0x2000, s8, s13, $0x20;
	[tilespmem:$0x8080] =	vst v63  }
.LBB1_5:
0x14: {  	s14 =	sadd.s32 $0x1, s9  }
0x15: {  	s12 =	sadd.s32 $0x1000, s10;
	s16 =	smov.u32 s10;
	p2 =	sgt.s32 s14, $0xC7  }
0x16: {  	s16 =	smov.u32 @p2 s12  }
0x17: {  	s14 =	simm.s32 @p2 $0x0;
	p2 =	sgt.s32 s16, $0xFFF  }
0x18: {  	s16 =	smov.u32 @p2 s2;
	p2 =	sne.s32 s11, s7  }
.Ltmp1:
0x19: {  	p1 =	slt.u32 s11, $0x2;
	(pc) =	sbr.rel @!p2 .LBB1_6-.Ltmp1, $4  }
0x1a: {  	s15 =	simm.s32 @!p1 $0x2  }
0x1b: {  	s13 =	smov.u32 s10;
	p0 =	por !p0, !p0;
	_ =	swait.ge @!p1 [sflag:s15], $0x2000  }
0x1c: {  	s12 =	smov.u32 s9;
	[sflag:s15] =	ssyncset.done @!p1 $0x0;
	s9 =	smov.u32 s14  }
0x1d: {  	s11 =	sadd.s32 $0x1, s11;
	[sflag:s15] =	ssyncadd.s32 @!p1 $0xFFFFE000;
	s10 =	smov.u32 s16  }
.LBB1_1:
0x1e: {  	p1 =	sge.u32 s11, s5  }
0x1f: {  	s14 =	sand.u32 @!p1 $0x1FFFFFF, s9  }
0x20: {  	s15 =	smulhi.u32 @!p1 $0x147AE15, s14;
	_ =	sdelay $0x1  }
0x21: {  	s15 =	smul.u32 @!p1 $0xC8, s15  }
0x22: {  	s16 =	sxor.u32 @!p1 $0xFFFFFFFF, s11;
	s17 =	smul.u32 @!p1 $0xC80, s10  }
0x23: {  	s31 =	sadd.s32 $0xFFFFFFFF, s11;
	s16 =	sshll.u32 @!p1 s16, $0xD;
	s14 =	ssub.s32 @!p1 s14, s15  }
0x24: {  	s15 =	sand.u32 @!p1 $0x2000, s16;
	s16 =	sadd.s32 @!p1 s6, s17;
	s14 =	sshll.u32 @!p1 s14, $0x4  }
0x25: {  	s17 =	simm.s32 @!p1 $0x6400;
	s14 =	sadd.s32 @!p1 s14, s16;
	s16 =	simm.s32 @!p1 $0x40  }
0x26: {  	[tilespmem:s15], [sflag:$0x1] =	stream.strided.gather @!p1 [hbm4b:s14+s16], $0x2000, s17, s16, $0x38;
	[tilespmem:$0x8080] =	vst v63  }
0x27: {  	p1 =	sge.u32 s31, s5  }
.Ltmp2:
0x28: {  	_ = 	snop;
	(pc) =	sbr.rel @p1 .LBB1_5-.Ltmp2, $1  }
0x29: {  	_ =	sdelay $0x3  }
0x2a: {  	s14 =	simm.s32 $0x1  }
0x2b: {  	_ =	swait.ge [sflag:s4], $0x2000;
	s14 =	simm.s32 @!p0 $0x0  }
0x2c: {  	[sflag:s4] =	ssyncset.done $0x0;
	s15 =	sshll.u32 s14, $0xD  }
0x2d: {  	[sflag:s4] =	ssyncadd.s32 $0xFFFFE000;
	s18 =	sor.u32 $0x20, s15  }
0x2e: {  	s14 =	smul.u32 $0x8100, s14;
	v3 =	vld [tilespmem:s18+$0x10]  }
0x2f: {  	s30 =	sand.u32 $0x1, s11;
	v2 =	vld [tilespmem:s18+$0xFFFFFFF0]  }
0x30: {  	s15 =	smul.u32 $0x8100, s30;
	s14 =	sshrl.u32 s14, $0x2;
	v0 =	vld [tilespmem:s18+$0x0]  }
0x31: {  	v1 =	vld [tilespmem:s18+$0xFFFFFFE0];
	s16 =	sor.u32 $0x4000, s14  }
0x32: {  	s31 =	sshrl.u32 s15, $0x2;
	s15 =	sadd.s32 $0x0, s16  }
0x33: {  	s17 =	simm.s32 $0x4;
	s18 =	sadd.s32 $0x40, s18;
	s14 =	sor.u32 $0x4000, s31;
	[tilespmem:s15+$0x1830 ss:$0x81] =	vst.msk $0xffff, v3  }
.LBB1_3:
0x34: {  	v3 =	vld [tilespmem:s18+$0x10];
	p1 =	sne.s32 s17, $0x1FC;
	[tilespmem:s15+$0x810 ss:$0x81] =	vst.msk $0xffff, v2;
	s19 =	smov.u32 s17;
	s17 =	sadd.s32 $0x4, s17  }
.Ltmp3:
0x35: {  	v2 =	vld [tilespmem:s18+$0xFFFFFFF0];
	[tilespmem:s15+$0x1020 ss:$0x81] =	vst.msk $0xffff, v0;
	(pc) =	sbr.rel @p1 .LBB1_3-.Ltmp3, $4  }
0x36: {  	v0 =	vld [tilespmem:s18+$0x0];
	[tilespmem:s15+$0x0 ss:$0x81] =	vst.msk $0xffff, v1  }
0x37: {  	s15 =	sshra.s32 s19, $0x2;
	v1 =	vld [tilespmem:s18+$0xFFFFFFE0]  }
0x38: {  	s15 =	sadd.s32 s15, s16  }
0x39: {  	s18 =	sadd.s32 $0x40, s18;
	[tilespmem:s15+$0x1830 ss:$0x81] =	vst.msk $0xffff, v3  }
.Ltmp4:
0x3a: {  	_ = 	snop;
	(pc) =	sbr.rel .LBB1_4-.Ltmp4, $1  }
0x3b: {  	_ =	sdelay $0x3  }
.LBB1_6:
0x3c: {  	_ =	sfence.sel $0x180000  }
0x3d: {  	s2 =	simm.s32 $0x1;
	[bflag:$0x0] =	sbarrier.arrive $0xFFFF  }
0x3e: {  	s31 =	simm.s32 $0x2;
	[sflag:s2] =	ssyncpa.u1 $0x1  }
0x3f: {  	[sflag:s31] =	ssyncpa.u1 $0x1  }
0x40: {  	p0 =	sne.s32 s0, $0x0;
	_ =	strace $0x9000004A  }
0x41: {  	s0 =	sadd.s32 @!p0 $0x100000, s1;
	[bflag:$0x2] =	sbarrier.arrive $0xFFFF  }
0x42: {  	[sflag:s0] =	ssyncadd.tile.s32 @!p0 $0x1;
	_ =	shalt  }
.Lfunc_end1:
_tile_overlayer_lowered:
.L_overlay_start_2:
0x43: {  	(tag) =	ssettag $0x2  }
0x44: {  	s0 =	rddreg [dreg:$0x0];
	s2 =	stileid.u32  }
0x45: {  	s1 =	rddreg [dreg:$0x1];
	p0 =	sne.s32 s2, $0x0  }
0x46: {  	s3 =	rddreg [dreg:$0x2];
	[bflag:$0x3] =	sbarrier.arrive $0xFFFF;
	s2 =	simm.s32 @!p0 $0x1C01  }
0x47: {  	[timem:s3], [sflag:s2] =	dma.local @!p0 [hbm:s0], s1  }
0x48: {  	s0 =	simm.s32 @!p0 $0x1  }
0x49: {  	_ =	swait.ge @!p0 [sflag:s0], s1  }
0x4a: {  	s1 =	ssub.s32 @!p0 $0x0, s1;
	[sflag:s0] =	ssyncset.done @!p0 $0x0  }
0x4b: {  	[sflag:s0] =	ssyncadd.s32 @!p0 s1  }
0x4c: {  	[bflag:$0x3] =	sbarrier.arrive $0xFFFF  }
0x4d: {  	_ =	shalt  }

</sc_bundles>
